<compile_context>
chip_gen: v7x
topology: tpu7x:2x2x1
jax: 0.10.2.dev20260603
libtpu: 0.0.44.dev20260713+nightly
codegen_flags: <defaults>
</compile_context>

<pallas_src>
import functools

import numpy as np
import jax
import jax.numpy as jnp
from jax import lax
from jax.experimental import pallas as pl
from jax.experimental.pallas import tpu as pltpu
from jax.experimental.pallas import tpu_sc as plsc

N = 10000
DEG = 32
D = 128
L = 16
NC = 2
NS = 16
NW = NC * NS
NB = 320
NP = NW * NB
CH = 4
K = CH * DEG
NCH = NB // CH
NSTEP = NCH // 2

_PAD_IDX = (np.arange((NP - N) * DEG, dtype=np.int32).reshape(NP - N, DEG) * 97) % N

_SCAT = (
    np.arange(NS, dtype=np.int32)[:, None, None] * NB
    + np.arange(NCH, dtype=np.int32)[None, :, None] * CH
    + (np.arange(K, dtype=np.int32) % CH)[None, None, :]
)


NBUF = 4
NSTEPS = NCH // NBUF


def _sc_body(x_hbm, ei_hbm, scat_hbm, zz_hbm, out_hbm, idx_v, scat_v, rows_v,
             acc_sh, sg0, sg1, sg2, sg3, ss0, ss1, ss2, ss3, sem_o):
    sem_g = (sg0, sg1, sg2, sg3)
    sem_s = (ss0, ss1, ss2, ss3)
    c = lax.axis_index("c")
    s = lax.axis_index("s")
    wid = c * NS + s

    pltpu.sync_copy(ei_hbm.at[wid], idx_v)
    pltpu.sync_copy(scat_hbm.at[s], scat_v)

    def _gather(ch, b):
        return pltpu.make_async_copy(x_hbm.at[idx_v.at[ch]], rows_v.at[b], sem_g[b])

    def _scat(ch, b):
        return pltpu.make_async_copy(rows_v.at[b], acc_sh.at[scat_v.at[ch]], sem_s[b])

    for i in range(NBUF):
        _gather(i, i).start()

    base = s * NB
    pltpu.sync_copy(zz_hbm, acc_sh.at[pl.ds(base, K)])
    pltpu.sync_copy(zz_hbm, acc_sh.at[pl.ds(base + K, K)])
    pltpu.sync_copy(zz_hbm.at[pl.ds(0, NB - 2 * K)],
                    acc_sh.at[pl.ds(base + 2 * K, NB - 2 * K)])

    def _out(lo, nrows):
        return pltpu.make_async_copy(acc_sh.at[pl.ds(base + lo, nrows)],
                                     out_hbm.at[pl.ds(wid * NB + lo, nrows)],
                                     sem_o)

    def _step(t, carry):
        ch0 = NBUF * t
        for i in range(NBUF):
            _gather(ch0 + i, i).wait()
            pltpu.async_copy(rows_v.at[i], acc_sh.at[scat_v.at[ch0 + i]],
                             sem_s[i], add=True)
        for i in range(NBUF):
            _scat(ch0 + i, i).wait()
            _gather(ch0 + NBUF + i, i).start()

        @pl.when(t == 8)
        def _():
            _out(0, 128).start()

        @pl.when(t == 16)
        def _():
            _out(128, 128).start()

        return carry

    lax.fori_loop(0, NSTEPS - 1, _step, 0)
    ch0 = NBUF * (NSTEPS - 1)
    for i in range(NBUF):
        _gather(ch0 + i, i).wait()
        pltpu.async_copy(rows_v.at[i], acc_sh.at[scat_v.at[ch0 + i]],
                         sem_s[i], add=True)
    for i in range(NBUF):
        _scat(ch0 + i, i).wait()

    pltpu.sync_copy(acc_sh.at[pl.ds(base + 2 * K, NB - 2 * K)],
                    out_hbm.at[pl.ds(wid * NB + 2 * K, NB - 2 * K)])
    _out(0, 128).wait()
    _out(128, 128).wait()


_neigh_sum = functools.partial(
    pl.kernel,
    out_type=jax.ShapeDtypeStruct((NP, D), jnp.float32),
    mesh=plsc.VectorSubcoreMesh(
        core_axis_name="c", subcore_axis_name="s", num_cores=NC, num_subcores=NS
    ),
    scratch_types=[
        pltpu.VMEM((NCH, K), jnp.int32),
        pltpu.VMEM((NCH, K), jnp.int32),
        pltpu.VMEM((NBUF, K, D), jnp.float32),
        pltpu.VMEM_SHARED((NS * NB, D), jnp.float32),
    ] + [pltpu.SemaphoreType.DMA] * (2 * NBUF + 1),
)(_sc_body)


_DN = (((1,), (1,)), ((), ()))


def _mm_body(x_ref, s_ref, w1_ref, w2_ref, b_ref, o_ref):
    o_ref[...] = (
        lax.dot_general(x_ref[...], w1_ref[...], _DN,
                        preferred_element_type=jnp.float32)
        + lax.dot_general(s_ref[...], w2_ref[...], _DN,
                          preferred_element_type=jnp.float32) * (1.0 / DEG)
        + b_ref[...]
    )


_BLK = 2000


@jax.jit
def kernel(x, edge_index, W, b):
    ei = edge_index.astype(jnp.int32)
    ei_p = jnp.concatenate([ei, jnp.asarray(_PAD_IDX)], axis=0)
    ei_r = (
        ei_p.reshape(NW, NCH, CH, DEG)
        .transpose(0, 1, 3, 2)
        .reshape(NW, NCH, K)
    )
    nsum = _neigh_sum(x, ei_r, jnp.asarray(_SCAT),
                      jnp.zeros((K, D), jnp.float32))

    out = pl.pallas_call(
        _mm_body,
        grid=(N // _BLK,),
        in_specs=[
            pl.BlockSpec((_BLK, D), lambda i: (i, 0)),
            pl.BlockSpec((_BLK, D), lambda i: (i, 0)),
            pl.BlockSpec((D, D), lambda i: (0, 0)),
            pl.BlockSpec((D, D), lambda i: (0, 1)),
            pl.BlockSpec((1, D), lambda i: (0, 0)),
        ],
        out_specs=pl.BlockSpec((_BLK, D), lambda i: (i, 0)),
        out_shape=jax.ShapeDtypeStruct((N, D), jnp.float32),
    )(x, nsum, W, W, b[None, :])
    return out

# --- scband reference (transcript-rebuilt; emitter-appended) ---
"""Pipeline reference for scband-sageconv-687194767735 (READ-ONLY COPY).

The authoritative reference and input builder live on the scoring server;
editing this copy changes nothing except your own understanding.
"""

import jax, jax.numpy as jnp
import numpy as np

N = 10000
DEG = 32
D_IN = 128
D_OUT = 128


def setup_inputs(seed: int = 0) -> dict:
    key = jax.random.key(seed)
    k1, k2, k3, k4 = jax.random.split(key, 4)
    x = jax.random.normal(k1, (N, D_IN), dtype=jnp.float32)
    edge_index = jax.random.randint(k2, (N, DEG), 0, N, dtype=jnp.int64)
    # transform: nn.Linear(2*in_channels, out_channels, bias=True)
    bound = 1.0 / np.sqrt(2 * D_IN)
    W = jax.random.uniform(k3, (D_OUT, 2 * D_IN), dtype=jnp.float32, minval=-bound, maxval=bound)
    b = jax.random.uniform(k4, (D_OUT,), dtype=jnp.float32, minval=-bound, maxval=bound)
    return {"x": x, "edge_index": edge_index, "W": W, "b": b}


def reference(x, edge_index, W, b):
    # pad node features with a zero row so padding index -1 gathers zeros (wraps to last row)
    node_feature_padded = jnp.concatenate([x, jnp.zeros((1, D_IN), dtype=x.dtype)], axis=0)
    neigh_feature = node_feature_padded[edge_index]  # [N, DEG, D_IN] gather
    # aggr == 'mean'
    node_degree = jnp.sum(edge_index >= 0, axis=-1, keepdims=True).astype(x.dtype)  # [N, 1]
    neigh_feature_agg = jnp.sum(neigh_feature, axis=1) / node_degree  # [N, D_IN]
    node_and_neigh_feature = jnp.concatenate([x, neigh_feature_agg], axis=1)  # [N, 2*D_IN]
    out = node_and_neigh_feature @ W.T + b
    return out

if __name__ == "__main__":
    import jax
    _d = setup_inputs()
    print(jax.jit(kernel)(*tuple(_d.values())))

</pallas_src>

<mosaic_0001>
#map = affine_map<(d0, d1) -> (0, 0)>
#map1 = affine_map<(d0, d1) -> (0, 0, 0)>
module attributes {stable_mosaic.version = 14 : i64} {
  func.func @_sc_body(%arg0: i32, %arg1: i32, %arg2: memref<10000x128xf32, #tpu.memory_space<hbm>>, %arg3: memref<32x80x128xi32, #tpu.memory_space<hbm>>, %arg4: memref<16x80x128xi32, #tpu.memory_space<hbm>>, %arg5: memref<128x128xf32, #tpu.memory_space<hbm>>, %arg6: memref<10240x128xf32, #tpu.memory_space<hbm>>, %arg7: memref<80x128xi32, #tpu.memory_space<vmem>>, %arg8: memref<80x128xi32, #tpu.memory_space<vmem>>, %arg9: memref<4x128x128xf32, #tpu.memory_space<vmem>>, %arg10: memref<5120x128xf32, #tpu.memory_space<vmem_shared>>, %arg11: memref<!tpu.dma_semaphore, #tpu.memory_space<semaphore_mem>>, %arg12: memref<!tpu.dma_semaphore, #tpu.memory_space<semaphore_mem>>, %arg13: memref<!tpu.dma_semaphore, #tpu.memory_space<semaphore_mem>>, %arg14: memref<!tpu.dma_semaphore, #tpu.memory_space<semaphore_mem>>, %arg15: memref<!tpu.dma_semaphore, #tpu.memory_space<semaphore_mem>>, %arg16: memref<!tpu.dma_semaphore, #tpu.memory_space<semaphore_mem>>, %arg17: memref<!tpu.dma_semaphore, #tpu.memory_space<semaphore_mem>>, %arg18: memref<!tpu.dma_semaphore, #tpu.memory_space<semaphore_mem>>, %arg19: memref<!tpu.dma_semaphore, #tpu.memory_space<semaphore_mem>>) attributes {dimension_semantics = [#tpu.dimension_semantics<core_parallel>, #tpu.dimension_semantics<subcore_parallel>], iteration_bounds = array<i64: 2, 16>, scalar_prefetch = 0 : i64, scratch_operands = 13 : i64, tpu.core_type = #tpu.core_type<sc_vector_subcore>, window_params = [{transform_indices = #map}, {transform_indices = #map1}, {transform_indices = #map1}, {transform_indices = #map}, {transform_indices = #map}]} {
    %mul3A = arith.constant 16 : i32
    %mul3A_0 = arith.muli %arg0, %mul3A : i32
    %add3A = arith.addi %mul3A_0, %arg1 : i32
    "tpu.region"() ({
      %run_scoped3A = tpu.sem_alloc : memref<!tpu.dma_semaphore, #tpu.memory_space<semaphore_mem>>
      %dma_start3A_228 = arith.constant 0 : i32
      %dma_start3A_229 = arith.constant 0 : i32
      %dma_start3A_230 = tpu.memref_slice %arg3[%add3A, %dma_start3A_228, %dma_start3A_229] : memref<32x80x128xi32, #tpu.memory_space<hbm>> -> memref<1x80x128xi32, #tpu.memory_space<hbm>>
      %dma_start3A_231 = tpu.memref_squeeze %dma_start3A_230 : memref<1x80x128xi32, #tpu.memory_space<hbm>> -> memref<80x128xi32, #tpu.memory_space<hbm>>
      %dma_start3A_232 = arith.constant 0 : i32
      %dma_start3A_233 = arith.constant 0 : i32
      %dma_start3A_234 = tpu.memref_slice %arg3[%add3A, %dma_start3A_232, %dma_start3A_233] : memref<32x80x128xi32, #tpu.memory_space<hbm>> -> memref<1x80x128xi32, #tpu.memory_space<hbm>>
      %dma_start3A_235 = tpu.memref_squeeze %dma_start3A_234 : memref<1x80x128xi32, #tpu.memory_space<hbm>> -> memref<80x128xi32, #tpu.memory_space<hbm>>
      tpu.enqueue_dma source(%dma_start3A_235 : memref<80x128xi32, #tpu.memory_space<hbm>>) target(%arg7 : memref<80x128xi32, #tpu.memory_space<vmem>>) target_semaphore(%run_scoped3A : memref<!tpu.dma_semaphore, #tpu.memory_space<semaphore_mem>>)
      %dma_wait3A_236 = arith.constant 0 : i32
      %dma_wait3A_237 = arith.constant 0 : i32
      %dma_wait3A_238 = tpu.memref_slice %arg3[%add3A, %dma_wait3A_236, %dma_wait3A_237] : memref<32x80x128xi32, #tpu.memory_space<hbm>> -> memref<1x80x128xi32, #tpu.memory_space<hbm>>
      %dma_wait3A_239 = tpu.memref_squeeze %dma_wait3A_238 : memref<1x80x128xi32, #tpu.memory_space<hbm>> -> memref<80x128xi32, #tpu.memory_space<hbm>>
      %dma_wait3A_240 = arith.constant 0 : i32
      %dma_wait3A_241 = arith.constant 0 : i32
      %dma_wait3A_242 = tpu.memref_slice %arg3[%add3A, %dma_wait3A_240, %dma_wait3A_241] : memref<32x80x128xi32, #tpu.memory_space<hbm>> -> memref<1x80x128xi32, #tpu.memory_space<hbm>>
      %dma_wait3A_243 = tpu.memref_squeeze %dma_wait3A_242 : memref<1x80x128xi32, #tpu.memory_space<hbm>> -> memref<80x128xi32, #tpu.memory_space<hbm>>
      tpu.wait_dma2 semaphore(%run_scoped3A : memref<!tpu.dma_semaphore, #tpu.memory_space<semaphore_mem>>) src(%dma_wait3A_243 : memref<80x128xi32, #tpu.memory_space<hbm>>) dst(%arg7 : memref<80x128xi32, #tpu.memory_space<vmem>>)
      tpu.yield
    }) : () -> ()
    "tpu.region"() ({
      %run_scoped3A = tpu.sem_alloc : memref<!tpu.dma_semaphore, #tpu.memory_space<semaphore_mem>>
      %dma_start3A_228 = arith.constant 0 : i32
      %dma_start3A_229 = arith.constant 0 : i32
      %dma_start3A_230 = tpu.memref_slice %arg4[%arg1, %dma_start3A_228, %dma_start3A_229] : memref<16x80x128xi32, #tpu.memory_space<hbm>> -> memref<1x80x128xi32, #tpu.memory_space<hbm>>
      %dma_start3A_231 = tpu.memref_squeeze %dma_start3A_230 : memref<1x80x128xi32, #tpu.memory_space<hbm>> -> memref<80x128xi32, #tpu.memory_space<hbm>>
      %dma_start3A_232 = arith.constant 0 : i32
      %dma_start3A_233 = arith.constant 0 : i32
      %dma_start3A_234 = tpu.memref_slice %arg4[%arg1, %dma_start3A_232, %dma_start3A_233] : memref<16x80x128xi32, #tpu.memory_space<hbm>> -> memref<1x80x128xi32, #tpu.memory_space<hbm>>
      %dma_start3A_235 = tpu.memref_squeeze %dma_start3A_234 : memref<1x80x128xi32, #tpu.memory_space<hbm>> -> memref<80x128xi32, #tpu.memory_space<hbm>>
      tpu.enqueue_dma source(%dma_start3A_235 : memref<80x128xi32, #tpu.memory_space<hbm>>) target(%arg8 : memref<80x128xi32, #tpu.memory_space<vmem>>) target_semaphore(%run_scoped3A : memref<!tpu.dma_semaphore, #tpu.memory_space<semaphore_mem>>)
      %dma_wait3A_236 = arith.constant 0 : i32
      %dma_wait3A_237 = arith.constant 0 : i32
      %dma_wait3A_238 = tpu.memref_slice %arg4[%arg1, %dma_wait3A_236, %dma_wait3A_237] : memref<16x80x128xi32, #tpu.memory_space<hbm>> -> memref<1x80x128xi32, #tpu.memory_space<hbm>>
      %dma_wait3A_239 = tpu.memref_squeeze %dma_wait3A_238 : memref<1x80x128xi32, #tpu.memory_space<hbm>> -> memref<80x128xi32, #tpu.memory_space<hbm>>
      %dma_wait3A_240 = arith.constant 0 : i32
      %dma_wait3A_241 = arith.constant 0 : i32
      %dma_wait3A_242 = tpu.memref_slice %arg4[%arg1, %dma_wait3A_240, %dma_wait3A_241] : memref<16x80x128xi32, #tpu.memory_space<hbm>> -> memref<1x80x128xi32, #tpu.memory_space<hbm>>
      %dma_wait3A_243 = tpu.memref_squeeze %dma_wait3A_242 : memref<1x80x128xi32, #tpu.memory_space<hbm>> -> memref<80x128xi32, #tpu.memory_space<hbm>>
      tpu.wait_dma2 semaphore(%run_scoped3A : memref<!tpu.dma_semaphore, #tpu.memory_space<semaphore_mem>>) src(%dma_wait3A_243 : memref<80x128xi32, #tpu.memory_space<hbm>>) dst(%arg8 : memref<80x128xi32, #tpu.memory_space<vmem>>)
      tpu.yield
    }) : () -> ()
    %dma_start3A = arith.constant 0 : i32
    %dma_start3A_1 = arith.constant 0 : i32
    %dma_start3A_2 = arith.constant 0 : i32
    %dma_start3A_3 = arith.constant 0 : i32
    %dma_start3A_4 = tpu.memref_slice %arg9[%dma_start3A_1, %dma_start3A_2, %dma_start3A_3] : memref<4x128x128xf32, #tpu.memory_space<vmem>> -> memref<1x128x128xf32, #tpu.memory_space<vmem>>
    %dma_start3A_5 = tpu.memref_squeeze %dma_start3A_4 : memref<1x128x128xf32, #tpu.memory_space<vmem>> -> memref<128x128xf32, #tpu.memory_space<vmem>>
    %dma_start3A_6 = arith.constant 0 : i32
    %dma_start3A_7 = tpu.memref_slice %arg7[%dma_start3A, %dma_start3A_6] : memref<80x128xi32, #tpu.memory_space<vmem>> -> memref<1x128xi32, #tpu.memory_space<vmem>>
    %dma_start3A_8 = tpu.memref_squeeze %dma_start3A_7 : memref<1x128xi32, #tpu.memory_space<vmem>> -> memref<128xi32, #tpu.memory_space<vmem>>
    %dma_start3A_9 = arith.constant 0 : i32
    %dma_start3A_10 = arith.constant 0 : i32
    %dma_start3A_11 = tpu.memref_slice %arg2[%dma_start3A_9, %dma_start3A_10] : memref<10000x128xf32, #tpu.memory_space<hbm>> -> memref<10000x128xf32, #tpu.memory_space<hbm>>
    tpu.enqueue_indirect_dma source(%dma_start3A_11 : memref<10000x128xf32, #tpu.memory_space<hbm>>) target(%dma_start3A_5 : memref<128x128xf32, #tpu.memory_space<vmem>>) offsets(%dma_start3A_8 : memref<128xi32, #tpu.memory_space<vmem>>) semaphore(%arg11 : memref<!tpu.dma_semaphore, #tpu.memory_space<semaphore_mem>>)
    %dma_start3A_12 = arith.constant 1 : i32
    %dma_start3A_13 = arith.constant 1 : i32
    %dma_start3A_14 = arith.constant 0 : i32
    %dma_start3A_15 = arith.constant 0 : i32
    %dma_start3A_16 = tpu.memref_slice %arg9[%dma_start3A_13, %dma_start3A_14, %dma_start3A_15] : memref<4x128x128xf32, #tpu.memory_space<vmem>> -> memref<1x128x128xf32, #tpu.memory_space<vmem>>
    %dma_start3A_17 = tpu.memref_squeeze %dma_start3A_16 : memref<1x128x128xf32, #tpu.memory_space<vmem>> -> memref<128x128xf32, #tpu.memory_space<vmem>>
    %dma_start3A_18 = arith.constant 0 : i32
    %dma_start3A_19 = tpu.memref_slice %arg7[%dma_start3A_12, %dma_start3A_18] : memref<80x128xi32, #tpu.memory_space<vmem>> -> memref<1x128xi32, #tpu.memory_space<vmem>>
    %dma_start3A_20 = tpu.memref_squeeze %dma_start3A_19 : memref<1x128xi32, #tpu.memory_space<vmem>> -> memref<128xi32, #tpu.memory_space<vmem>>
    %dma_start3A_21 = arith.constant 0 : i32
    %dma_start3A_22 = arith.constant 0 : i32
    %dma_start3A_23 = tpu.memref_slice %arg2[%dma_start3A_21, %dma_start3A_22] : memref<10000x128xf32, #tpu.memory_space<hbm>> -> memref<10000x128xf32, #tpu.memory_space<hbm>>
    tpu.enqueue_indirect_dma source(%dma_start3A_23 : memref<10000x128xf32, #tpu.memory_space<hbm>>) target(%dma_start3A_17 : memref<128x128xf32, #tpu.memory_space<vmem>>) offsets(%dma_start3A_20 : memref<128xi32, #tpu.memory_space<vmem>>) semaphore(%arg12 : memref<!tpu.dma_semaphore, #tpu.memory_space<semaphore_mem>>)
    %dma_start3A_24 = arith.constant 2 : i32
    %dma_start3A_25 = arith.constant 2 : i32
    %dma_start3A_26 = arith.constant 0 : i32
    %dma_start3A_27 = arith.constant 0 : i32
    %dma_start3A_28 = tpu.memref_slice %arg9[%dma_start3A_25, %dma_start3A_26, %dma_start3A_27] : memref<4x128x128xf32, #tpu.memory_space<vmem>> -> memref<1x128x128xf32, #tpu.memory_space<vmem>>
    %dma_start3A_29 = tpu.memref_squeeze %dma_start3A_28 : memref<1x128x128xf32, #tpu.memory_space<vmem>> -> memref<128x128xf32, #tpu.memory_space<vmem>>
    %dma_start3A_30 = arith.constant 0 : i32
    %dma_start3A_31 = tpu.memref_slice %arg7[%dma_start3A_24, %dma_start3A_30] : memref<80x128xi32, #tpu.memory_space<vmem>> -> memref<1x128xi32, #tpu.memory_space<vmem>>
    %dma_start3A_32 = tpu.memref_squeeze %dma_start3A_31 : memref<1x128xi32, #tpu.memory_space<vmem>> -> memref<128xi32, #tpu.memory_space<vmem>>
    %dma_start3A_33 = arith.constant 0 : i32
    %dma_start3A_34 = arith.constant 0 : i32
    %dma_start3A_35 = tpu.memref_slice %arg2[%dma_start3A_33, %dma_start3A_34] : memref<10000x128xf32, #tpu.memory_space<hbm>> -> memref<10000x128xf32, #tpu.memory_space<hbm>>
    tpu.enqueue_indirect_dma source(%dma_start3A_35 : memref<10000x128xf32, #tpu.memory_space<hbm>>) target(%dma_start3A_29 : memref<128x128xf32, #tpu.memory_space<vmem>>) offsets(%dma_start3A_32 : memref<128xi32, #tpu.memory_space<vmem>>) semaphore(%arg13 : memref<!tpu.dma_semaphore, #tpu.memory_space<semaphore_mem>>)
    %dma_start3A_36 = arith.constant 3 : i32
    %dma_start3A_37 = arith.constant 3 : i32
    %dma_start3A_38 = arith.constant 0 : i32
    %dma_start3A_39 = arith.constant 0 : i32
    %dma_start3A_40 = tpu.memref_slice %arg9[%dma_start3A_37, %dma_start3A_38, %dma_start3A_39] : memref<4x128x128xf32, #tpu.memory_space<vmem>> -> memref<1x128x128xf32, #tpu.memory_space<vmem>>
    %dma_start3A_41 = tpu.memref_squeeze %dma_start3A_40 : memref<1x128x128xf32, #tpu.memory_space<vmem>> -> memref<128x128xf32, #tpu.memory_space<vmem>>
    %dma_start3A_42 = arith.constant 0 : i32
    %dma_start3A_43 = tpu.memref_slice %arg7[%dma_start3A_36, %dma_start3A_42] : memref<80x128xi32, #tpu.memory_space<vmem>> -> memref<1x128xi32, #tpu.memory_space<vmem>>
    %dma_start3A_44 = tpu.memref_squeeze %dma_start3A_43 : memref<1x128xi32, #tpu.memory_space<vmem>> -> memref<128xi32, #tpu.memory_space<vmem>>
    %dma_start3A_45 = arith.constant 0 : i32
    %dma_start3A_46 = arith.constant 0 : i32
    %dma_start3A_47 = tpu.memref_slice %arg2[%dma_start3A_45, %dma_start3A_46] : memref<10000x128xf32, #tpu.memory_space<hbm>> -> memref<10000x128xf32, #tpu.memory_space<hbm>>
    tpu.enqueue_indirect_dma source(%dma_start3A_47 : memref<10000x128xf32, #tpu.memory_space<hbm>>) target(%dma_start3A_41 : memref<128x128xf32, #tpu.memory_space<vmem>>) offsets(%dma_start3A_44 : memref<128xi32, #tpu.memory_space<vmem>>) semaphore(%arg14 : memref<!tpu.dma_semaphore, #tpu.memory_space<semaphore_mem>>)
    %mul3A_48 = arith.constant 320 : i32
    %mul3A_49 = arith.muli %arg1, %mul3A_48 : i32
    "tpu.region"() ({
      %run_scoped3A = tpu.sem_alloc : memref<!tpu.dma_semaphore, #tpu.memory_space<semaphore_mem>>
      %dma_start3A_228 = arith.constant 0 : i32
      %dma_start3A_229 = tpu.memref_slice %arg10[%mul3A_49, %dma_start3A_228] : memref<5120x128xf32, #tpu.memory_space<vmem_shared>> -> memref<128x128xf32, #tpu.memory_space<vmem_shared>>
      tpu.enqueue_dma source(%arg5 : memref<128x128xf32, #tpu.memory_space<hbm>>) target(%dma_start3A_229 : memref<128x128xf32, #tpu.memory_space<vmem_shared>>) target_semaphore(%run_scoped3A : memref<!tpu.dma_semaphore, #tpu.memory_space<semaphore_mem>>)
      %dma_wait3A_230 = arith.constant 0 : i32
      %dma_wait3A_231 = tpu.memref_slice %arg10[%mul3A_49, %dma_wait3A_230] : memref<5120x128xf32, #tpu.memory_space<vmem_shared>> -> memref<128x128xf32, #tpu.memory_space<vmem_shared>>
      tpu.wait_dma2 semaphore(%run_scoped3A : memref<!tpu.dma_semaphore, #tpu.memory_space<semaphore_mem>>) src(%arg5 : memref<128x128xf32, #tpu.memory_space<hbm>>) dst(%dma_wait3A_231 : memref<128x128xf32, #tpu.memory_space<vmem_shared>>)
      tpu.yield
    }) : () -> ()
    %add3A_50 = arith.constant 128 : i32
    %add3A_51 = arith.addi %mul3A_49, %add3A_50 : i32
    "tpu.region"() ({
      %run_scoped3A = tpu.sem_alloc : memref<!tpu.dma_semaphore, #tpu.memory_space<semaphore_mem>>
      %dma_start3A_228 = arith.constant 0 : i32
      %dma_start3A_229 = tpu.memref_slice %arg10[%add3A_51, %dma_start3A_228] : memref<5120x128xf32, #tpu.memory_space<vmem_shared>> -> memref<128x128xf32, #tpu.memory_space<vmem_shared>>
      tpu.enqueue_dma source(%arg5 : memref<128x128xf32, #tpu.memory_space<hbm>>) target(%dma_start3A_229 : memref<128x128xf32, #tpu.memory_space<vmem_shared>>) target_semaphore(%run_scoped3A : memref<!tpu.dma_semaphore, #tpu.memory_space<semaphore_mem>>)
      %dma_wait3A_230 = arith.constant 0 : i32
      %dma_wait3A_231 = tpu.memref_slice %arg10[%add3A_51, %dma_wait3A_230] : memref<5120x128xf32, #tpu.memory_space<vmem_shared>> -> memref<128x128xf32, #tpu.memory_space<vmem_shared>>
      tpu.wait_dma2 semaphore(%run_scoped3A : memref<!tpu.dma_semaphore, #tpu.memory_space<semaphore_mem>>) src(%arg5 : memref<128x128xf32, #tpu.memory_space<hbm>>) dst(%dma_wait3A_231 : memref<128x128xf32, #tpu.memory_space<vmem_shared>>)
      tpu.yield
    }) : () -> ()
    %add3A_52 = arith.constant 256 : i32
    %add3A_53 = arith.addi %mul3A_49, %add3A_52 : i32
    "tpu.region"() ({
      %run_scoped3A = tpu.sem_alloc : memref<!tpu.dma_semaphore, #tpu.memory_space<semaphore_mem>>
      %dma_start3A_228 = arith.constant 0 : i32
      %dma_start3A_229 = tpu.memref_slice %arg10[%add3A_53, %dma_start3A_228] : memref<5120x128xf32, #tpu.memory_space<vmem_shared>> -> memref<64x128xf32, #tpu.memory_space<vmem_shared>>
      %dma_start3A_230 = arith.constant 0 : i32
      %dma_start3A_231 = arith.constant 0 : i32
      %dma_start3A_232 = tpu.memref_slice %arg5[%dma_start3A_230, %dma_start3A_231] : memref<128x128xf32, #tpu.memory_space<hbm>> -> memref<64x128xf32, #tpu.memory_space<hbm>>
      tpu.enqueue_dma source(%dma_start3A_232 : memref<64x128xf32, #tpu.memory_space<hbm>>) target(%dma_start3A_229 : memref<64x128xf32, #tpu.memory_space<vmem_shared>>) target_semaphore(%run_scoped3A : memref<!tpu.dma_semaphore, #tpu.memory_space<semaphore_mem>>)
      %dma_wait3A_233 = arith.constant 0 : i32
      %dma_wait3A_234 = tpu.memref_slice %arg10[%add3A_53, %dma_wait3A_233] : memref<5120x128xf32, #tpu.memory_space<vmem_shared>> -> memref<64x128xf32, #tpu.memory_space<vmem_shared>>
      %dma_wait3A_235 = arith.constant 0 : i32
      %dma_wait3A_236 = arith.constant 0 : i32
      %dma_wait3A_237 = tpu.memref_slice %arg5[%dma_wait3A_235, %dma_wait3A_236] : memref<128x128xf32, #tpu.memory_space<hbm>> -> memref<64x128xf32, #tpu.memory_space<hbm>>
      tpu.wait_dma2 semaphore(%run_scoped3A : memref<!tpu.dma_semaphore, #tpu.memory_space<semaphore_mem>>) src(%dma_wait3A_237 : memref<64x128xf32, #tpu.memory_space<hbm>>) dst(%dma_wait3A_234 : memref<64x128xf32, #tpu.memory_space<vmem_shared>>)
      tpu.yield
    }) : () -> ()
    %scan3A = arith.constant 0 : i32
    %scan3A_54 = arith.constant 0 : i32
    %scan3A_55 = arith.constant 19 : i32
    %scan3A_56 = arith.addi %scan3A_54, %scan3A_55 : i32
    %scan3A_57 = arith.constant 1 : i32
    scf.for %scan3A_228 = %scan3A_54 to %scan3A_56 step %scan3A_57  : i32 {
      %mul3A_229 = arith.constant 4 : i32
      %mul3A_230 = arith.muli %mul3A_229, %scan3A_228 : i32
      %add3A_231 = arith.constant 0 : i32
      %add3A_232 = arith.addi %mul3A_230, %add3A_231 : i32
      %dma_wait3A_233 = arith.constant 0 : i32
      %dma_wait3A_234 = arith.constant 0 : i32
      %dma_wait3A_235 = arith.constant 0 : i32
      %dma_wait3A_236 = tpu.memref_slice %arg9[%dma_wait3A_233, %dma_wait3A_234, %dma_wait3A_235] : memref<4x128x128xf32, #tpu.memory_space<vmem>> -> memref<1x128x128xf32, #tpu.memory_space<vmem>>
      %dma_wait3A_237 = tpu.memref_squeeze %dma_wait3A_236 : memref<1x128x128xf32, #tpu.memory_space<vmem>> -> memref<128x128xf32, #tpu.memory_space<vmem>>
      %dma_wait3A_238 = arith.constant 0 : i32
      %dma_wait3A_239 = tpu.memref_slice %arg7[%add3A_232, %dma_wait3A_238] : memref<80x128xi32, #tpu.memory_space<vmem>> -> memref<1x128xi32, #tpu.memory_space<vmem>>
      %dma_wait3A_240 = tpu.memref_squeeze %dma_wait3A_239 : memref<1x128xi32, #tpu.memory_space<vmem>> -> memref<128xi32, #tpu.memory_space<vmem>>
      %dma_wait3A_241 = arith.constant 0 : i32
      %dma_wait3A_242 = arith.constant 0 : i32
      %dma_wait3A_243 = tpu.memref_slice %arg2[%dma_wait3A_241, %dma_wait3A_242] : memref<10000x128xf32, #tpu.memory_space<hbm>> -> memref<10000x128xf32, #tpu.memory_space<hbm>>
      tpu.wait_indirect_dma semaphore(%arg11 : memref<!tpu.dma_semaphore, #tpu.memory_space<semaphore_mem>>) src(%dma_wait3A_243 : memref<10000x128xf32, #tpu.memory_space<hbm>>) dst(%dma_wait3A_237 : memref<128x128xf32, #tpu.memory_space<vmem>>)
      %add3A_244 = arith.constant 0 : i32
      %add3A_245 = arith.addi %mul3A_230, %add3A_244 : i32
      %dma_start3A_246 = arith.constant 0 : i32
      %dma_start3A_247 = arith.constant 0 : i32
      %dma_start3A_248 = arith.constant 0 : i32
      %dma_start3A_249 = tpu.memref_slice %arg9[%dma_start3A_246, %dma_start3A_247, %dma_start3A_248] : memref<4x128x128xf32, #tpu.memory_space<vmem>> -> memref<1x128x128xf32, #tpu.memory_space<vmem>>
      %dma_start3A_250 = tpu.memref_squeeze %dma_start3A_249 : memref<1x128x128xf32, #tpu.memory_space<vmem>> -> memref<128x128xf32, #tpu.memory_space<vmem>>
      %dma_start3A_251 = arith.constant 0 : i32
      %dma_start3A_252 = tpu.memref_slice %arg8[%add3A_245, %dma_start3A_251] : memref<80x128xi32, #tpu.memory_space<vmem>> -> memref<1x128xi32, #tpu.memory_space<vmem>>
      %dma_start3A_253 = tpu.memref_squeeze %dma_start3A_252 : memref<1x128xi32, #tpu.memory_space<vmem>> -> memref<128xi32, #tpu.memory_space<vmem>>
      %dma_start3A_254 = arith.constant 0 : i32
      %dma_start3A_255 = arith.constant 0 : i32
      %dma_start3A_256 = tpu.memref_slice %arg10[%dma_start3A_254, %dma_start3A_255] : memref<5120x128xf32, #tpu.memory_space<vmem_shared>> -> memref<5120x128xf32, #tpu.memory_space<vmem_shared>>
      tpu.enqueue_indirect_dma source(%dma_start3A_250 : memref<128x128xf32, #tpu.memory_space<vmem>>) target(%dma_start3A_256 : memref<5120x128xf32, #tpu.memory_space<vmem_shared>>) offsets(%dma_start3A_253 : memref<128xi32, #tpu.memory_space<vmem>>) semaphore(%arg15 : memref<!tpu.dma_semaphore, #tpu.memory_space<semaphore_mem>>) {add = true}
      %add3A_257 = arith.constant 1 : i32
      %add3A_258 = arith.addi %mul3A_230, %add3A_257 : i32
      %dma_wait3A_259 = arith.constant 1 : i32
      %dma_wait3A_260 = arith.constant 0 : i32
      %dma_wait3A_261 = arith.constant 0 : i32
      %dma_wait3A_262 = tpu.memref_slice %arg9[%dma_wait3A_259, %dma_wait3A_260, %dma_wait3A_261] : memref<4x128x128xf32, #tpu.memory_space<vmem>> -> memref<1x128x128xf32, #tpu.memory_space<vmem>>
      %dma_wait3A_263 = tpu.memref_squeeze %dma_wait3A_262 : memref<1x128x128xf32, #tpu.memory_space<vmem>> -> memref<128x128xf32, #tpu.memory_space<vmem>>
      %dma_wait3A_264 = arith.constant 0 : i32
      %dma_wait3A_265 = tpu.memref_slice %arg7[%add3A_258, %dma_wait3A_264] : memref<80x128xi32, #tpu.memory_space<vmem>> -> memref<1x128xi32, #tpu.memory_space<vmem>>
      %dma_wait3A_266 = tpu.memref_squeeze %dma_wait3A_265 : memref<1x128xi32, #tpu.memory_space<vmem>> -> memref<128xi32, #tpu.memory_space<vmem>>
      %dma_wait3A_267 = arith.constant 0 : i32
      %dma_wait3A_268 = arith.constant 0 : i32
      %dma_wait3A_269 = tpu.memref_slice %arg2[%dma_wait3A_267, %dma_wait3A_268] : memref<10000x128xf32, #tpu.memory_space<hbm>> -> memref<10000x128xf32, #tpu.memory_space<hbm>>
      tpu.wait_indirect_dma semaphore(%arg12 : memref<!tpu.dma_semaphore, #tpu.memory_space<semaphore_mem>>) src(%dma_wait3A_269 : memref<10000x128xf32, #tpu.memory_space<hbm>>) dst(%dma_wait3A_263 : memref<128x128xf32, #tpu.memory_space<vmem>>)
      %add3A_270 = arith.constant 1 : i32
      %add3A_271 = arith.addi %mul3A_230, %add3A_270 : i32
      %dma_start3A_272 = arith.constant 1 : i32
      %dma_start3A_273 = arith.constant 0 : i32
      %dma_start3A_274 = arith.constant 0 : i32
      %dma_start3A_275 = tpu.memref_slice %arg9[%dma_start3A_272, %dma_start3A_273, %dma_start3A_274] : memref<4x128x128xf32, #tpu.memory_space<vmem>> -> memref<1x128x128xf32, #tpu.memory_space<vmem>>
      %dma_start3A_276 = tpu.memref_squeeze %dma_start3A_275 : memref<1x128x128xf32, #tpu.memory_space<vmem>> -> memref<128x128xf32, #tpu.memory_space<vmem>>
      %dma_start3A_277 = arith.constant 0 : i32
      %dma_start3A_278 = tpu.memref_slice %arg8[%add3A_271, %dma_start3A_277] : memref<80x128xi32, #tpu.memory_space<vmem>> -> memref<1x128xi32, #tpu.memory_space<vmem>>
      %dma_start3A_279 = tpu.memref_squeeze %dma_start3A_278 : memref<1x128xi32, #tpu.memory_space<vmem>> -> memref<128xi32, #tpu.memory_space<vmem>>
      %dma_start3A_280 = arith.constant 0 : i32
      %dma_start3A_281 = arith.constant 0 : i32
      %dma_start3A_282 = tpu.memref_slice %arg10[%dma_start3A_280, %dma_start3A_281] : memref<5120x128xf32, #tpu.memory_space<vmem_shared>> -> memref<5120x128xf32, #tpu.memory_space<vmem_shared>>
      tpu.enqueue_indirect_dma source(%dma_start3A_276 : memref<128x128xf32, #tpu.memory_space<vmem>>) target(%dma_start3A_282 : memref<5120x128xf32, #tpu.memory_space<vmem_shared>>) offsets(%dma_start3A_279 : memref<128xi32, #tpu.memory_space<vmem>>) semaphore(%arg16 : memref<!tpu.dma_semaphore, #tpu.memory_space<semaphore_mem>>) {add = true}
      %add3A_283 = arith.constant 2 : i32
      %add3A_284 = arith.addi %mul3A_230, %add3A_283 : i32
      %dma_wait3A_285 = arith.constant 2 : i32
      %dma_wait3A_286 = arith.constant 0 : i32
      %dma_wait3A_287 = arith.constant 0 : i32
      %dma_wait3A_288 = tpu.memref_slice %arg9[%dma_wait3A_285, %dma_wait3A_286, %dma_wait3A_287] : memref<4x128x128xf32, #tpu.memory_space<vmem>> -> memref<1x128x128xf32, #tpu.memory_space<vmem>>
      %dma_wait3A_289 = tpu.memref_squeeze %dma_wait3A_288 : memref<1x128x128xf32, #tpu.memory_space<vmem>> -> memref<128x128xf32, #tpu.memory_space<vmem>>
      %dma_wait3A_290 = arith.constant 0 : i32
      %dma_wait3A_291 = tpu.memref_slice %arg7[%add3A_284, %dma_wait3A_290] : memref<80x128xi32, #tpu.memory_space<vmem>> -> memref<1x128xi32, #tpu.memory_space<vmem>>
      %dma_wait3A_292 = tpu.memref_squeeze %dma_wait3A_291 : memref<1x128xi32, #tpu.memory_space<vmem>> -> memref<128xi32, #tpu.memory_space<vmem>>
      %dma_wait3A_293 = arith.constant 0 : i32
      %dma_wait3A_294 = arith.constant 0 : i32
      %dma_wait3A_295 = tpu.memref_slice %arg2[%dma_wait3A_293, %dma_wait3A_294] : memref<10000x128xf32, #tpu.memory_space<hbm>> -> memref<10000x128xf32, #tpu.memory_space<hbm>>
      tpu.wait_indirect_dma semaphore(%arg13 : memref<!tpu.dma_semaphore, #tpu.memory_space<semaphore_mem>>) src(%dma_wait3A_295 : memref<10000x128xf32, #tpu.memory_space<hbm>>) dst(%dma_wait3A_289 : memref<128x128xf32, #tpu.memory_space<vmem>>)
      %add3A_296 = arith.constant 2 : i32
      %add3A_297 = arith.addi %mul3A_230, %add3A_296 : i32
      %dma_start3A_298 = arith.constant 2 : i32
      %dma_start3A_299 = arith.constant 0 : i32
      %dma_start3A_300 = arith.constant 0 : i32
      %dma_start3A_301 = tpu.memref_slice %arg9[%dma_start3A_298, %dma_start3A_299, %dma_start3A_300] : memref<4x128x128xf32, #tpu.memory_space<vmem>> -> memref<1x128x128xf32, #tpu.memory_space<vmem>>
      %dma_start3A_302 = tpu.memref_squeeze %dma_start3A_301 : memref<1x128x128xf32, #tpu.memory_space<vmem>> -> memref<128x128xf32, #tpu.memory_space<vmem>>
      %dma_start3A_303 = arith.constant 0 : i32
      %dma_start3A_304 = tpu.memref_slice %arg8[%add3A_297, %dma_start3A_303] : memref<80x128xi32, #tpu.memory_space<vmem>> -> memref<1x128xi32, #tpu.memory_space<vmem>>
      %dma_start3A_305 = tpu.memref_squeeze %dma_start3A_304 : memref<1x128xi32, #tpu.memory_space<vmem>> -> memref<128xi32, #tpu.memory_space<vmem>>
      %dma_start3A_306 = arith.constant 0 : i32
      %dma_start3A_307 = arith.constant 0 : i32
      %dma_start3A_308 = tpu.memref_slice %arg10[%dma_start3A_306, %dma_start3A_307] : memref<5120x128xf32, #tpu.memory_space<vmem_shared>> -> memref<5120x128xf32, #tpu.memory_space<vmem_shared>>
      tpu.enqueue_indirect_dma source(%dma_start3A_302 : memref<128x128xf32, #tpu.memory_space<vmem>>) target(%dma_start3A_308 : memref<5120x128xf32, #tpu.memory_space<vmem_shared>>) offsets(%dma_start3A_305 : memref<128xi32, #tpu.memory_space<vmem>>) semaphore(%arg17 : memref<!tpu.dma_semaphore, #tpu.memory_space<semaphore_mem>>) {add = true}
      %add3A_309 = arith.constant 3 : i32
      %add3A_310 = arith.addi %mul3A_230, %add3A_309 : i32
      %dma_wait3A_311 = arith.constant 3 : i32
      %dma_wait3A_312 = arith.constant 0 : i32
      %dma_wait3A_313 = arith.constant 0 : i32
      %dma_wait3A_314 = tpu.memref_slice %arg9[%dma_wait3A_311, %dma_wait3A_312, %dma_wait3A_313] : memref<4x128x128xf32, #tpu.memory_space<vmem>> -> memref<1x128x128xf32, #tpu.memory_space<vmem>>
      %dma_wait3A_315 = tpu.memref_squeeze %dma_wait3A_314 : memref<1x128x128xf32, #tpu.memory_space<vmem>> -> memref<128x128xf32, #tpu.memory_space<vmem>>
      %dma_wait3A_316 = arith.constant 0 : i32
      %dma_wait3A_317 = tpu.memref_slice %arg7[%add3A_310, %dma_wait3A_316] : memref<80x128xi32, #tpu.memory_space<vmem>> -> memref<1x128xi32, #tpu.memory_space<vmem>>
      %dma_wait3A_318 = tpu.memref_squeeze %dma_wait3A_317 : memref<1x128xi32, #tpu.memory_space<vmem>> -> memref<128xi32, #tpu.memory_space<vmem>>
      %dma_wait3A_319 = arith.constant 0 : i32
      %dma_wait3A_320 = arith.constant 0 : i32
      %dma_wait3A_321 = tpu.memref_slice %arg2[%dma_wait3A_319, %dma_wait3A_320] : memref<10000x128xf32, #tpu.memory_space<hbm>> -> memref<10000x128xf32, #tpu.memory_space<hbm>>
      tpu.wait_indirect_dma semaphore(%arg14 : memref<!tpu.dma_semaphore, #tpu.memory_space<semaphore_mem>>) src(%dma_wait3A_321 : memref<10000x128xf32, #tpu.memory_space<hbm>>) dst(%dma_wait3A_315 : memref<128x128xf32, #tpu.memory_space<vmem>>)
      %add3A_322 = arith.constant 3 : i32
      %add3A_323 = arith.addi %mul3A_230, %add3A_322 : i32
      %dma_start3A_324 = arith.constant 3 : i32
      %dma_start3A_325 = arith.constant 0 : i32
      %dma_start3A_326 = arith.constant 0 : i32
      %dma_start3A_327 = tpu.memref_slice %arg9[%dma_start3A_324, %dma_start3A_325, %dma_start3A_326] : memref<4x128x128xf32, #tpu.memory_space<vmem>> -> memref<1x128x128xf32, #tpu.memory_space<vmem>>
      %dma_start3A_328 = tpu.memref_squeeze %dma_start3A_327 : memref<1x128x128xf32, #tpu.memory_space<vmem>> -> memref<128x128xf32, #tpu.memory_space<vmem>>
      %dma_start3A_329 = arith.constant 0 : i32
      %dma_start3A_330 = tpu.memref_slice %arg8[%add3A_323, %dma_start3A_329] : memref<80x128xi32, #tpu.memory_space<vmem>> -> memref<1x128xi32, #tpu.memory_space<vmem>>
      %dma_start3A_331 = tpu.memref_squeeze %dma_start3A_330 : memref<1x128xi32, #tpu.memory_space<vmem>> -> memref<128xi32, #tpu.memory_space<vmem>>
      %dma_start3A_332 = arith.constant 0 : i32
      %dma_start3A_333 = arith.constant 0 : i32
      %dma_start3A_334 = tpu.memref_slice %arg10[%dma_start3A_332, %dma_start3A_333] : memref<5120x128xf32, #tpu.memory_space<vmem_shared>> -> memref<5120x128xf32, #tpu.memory_space<vmem_shared>>
      tpu.enqueue_indirect_dma source(%dma_start3A_328 : memref<128x128xf32, #tpu.memory_space<vmem>>) target(%dma_start3A_334 : memref<5120x128xf32, #tpu.memory_space<vmem_shared>>) offsets(%dma_start3A_331 : memref<128xi32, #tpu.memory_space<vmem>>) semaphore(%arg18 : memref<!tpu.dma_semaphore, #tpu.memory_space<semaphore_mem>>) {add = true}
      %add3A_335 = arith.constant 0 : i32
      %add3A_336 = arith.addi %mul3A_230, %add3A_335 : i32
      %dma_wait3A_337 = arith.constant 0 : i32
      %dma_wait3A_338 = arith.constant 0 : i32
      %dma_wait3A_339 = arith.constant 0 : i32
      %dma_wait3A_340 = tpu.memref_slice %arg9[%dma_wait3A_337, %dma_wait3A_338, %dma_wait3A_339] : memref<4x128x128xf32, #tpu.memory_space<vmem>> -> memref<1x128x128xf32, #tpu.memory_space<vmem>>
      %dma_wait3A_341 = tpu.memref_squeeze %dma_wait3A_340 : memref<1x128x128xf32, #tpu.memory_space<vmem>> -> memref<128x128xf32, #tpu.memory_space<vmem>>
      %dma_wait3A_342 = arith.constant 0 : i32
      %dma_wait3A_343 = tpu.memref_slice %arg8[%add3A_336, %dma_wait3A_342] : memref<80x128xi32, #tpu.memory_space<vmem>> -> memref<1x128xi32, #tpu.memory_space<vmem>>
      %dma_wait3A_344 = tpu.memref_squeeze %dma_wait3A_343 : memref<1x128xi32, #tpu.memory_space<vmem>> -> memref<128xi32, #tpu.memory_space<vmem>>
      %dma_wait3A_345 = arith.constant 0 : i32
      %dma_wait3A_346 = arith.constant 0 : i32
      %dma_wait3A_347 = tpu.memref_slice %arg10[%dma_wait3A_345, %dma_wait3A_346] : memref<5120x128xf32, #tpu.memory_space<vmem_shared>> -> memref<5120x128xf32, #tpu.memory_space<vmem_shared>>
      tpu.wait_indirect_dma semaphore(%arg15 : memref<!tpu.dma_semaphore, #tpu.memory_space<semaphore_mem>>) src(%dma_wait3A_341 : memref<128x128xf32, #tpu.memory_space<vmem>>) dst(%dma_wait3A_347 : memref<5120x128xf32, #tpu.memory_space<vmem_shared>>)
      %add3A_348 = arith.constant 4 : i32
      %add3A_349 = arith.addi %mul3A_230, %add3A_348 : i32
      %add3A_350 = arith.constant 0 : i32
      %add3A_351 = arith.addi %add3A_349, %add3A_350 : i32
      %dma_start3A_352 = arith.constant 0 : i32
      %dma_start3A_353 = arith.constant 0 : i32
      %dma_start3A_354 = arith.constant 0 : i32
      %dma_start3A_355 = tpu.memref_slice %arg9[%dma_start3A_352, %dma_start3A_353, %dma_start3A_354] : memref<4x128x128xf32, #tpu.memory_space<vmem>> -> memref<1x128x128xf32, #tpu.memory_space<vmem>>
      %dma_start3A_356 = tpu.memref_squeeze %dma_start3A_355 : memref<1x128x128xf32, #tpu.memory_space<vmem>> -> memref<128x128xf32, #tpu.memory_space<vmem>>
      %dma_start3A_357 = arith.constant 0 : i32
      %dma_start3A_358 = tpu.memref_slice %arg7[%add3A_351, %dma_start3A_357] : memref<80x128xi32, #tpu.memory_space<vmem>> -> memref<1x128xi32, #tpu.memory_space<vmem>>
      %dma_start3A_359 = tpu.memref_squeeze %dma_start3A_358 : memref<1x128xi32, #tpu.memory_space<vmem>> -> memref<128xi32, #tpu.memory_space<vmem>>
      %dma_start3A_360 = arith.constant 0 : i32
      %dma_start3A_361 = arith.constant 0 : i32
      %dma_start3A_362 = tpu.memref_slice %arg2[%dma_start3A_360, %dma_start3A_361] : memref<10000x128xf32, #tpu.memory_space<hbm>> -> memref<10000x128xf32, #tpu.memory_space<hbm>>
      tpu.enqueue_indirect_dma source(%dma_start3A_362 : memref<10000x128xf32, #tpu.memory_space<hbm>>) target(%dma_start3A_356 : memref<128x128xf32, #tpu.memory_space<vmem>>) offsets(%dma_start3A_359 : memref<128xi32, #tpu.memory_space<vmem>>) semaphore(%arg11 : memref<!tpu.dma_semaphore, #tpu.memory_space<semaphore_mem>>)
      %add3A_363 = arith.constant 1 : i32
      %add3A_364 = arith.addi %mul3A_230, %add3A_363 : i32
      %dma_wait3A_365 = arith.constant 1 : i32
      %dma_wait3A_366 = arith.constant 0 : i32
      %dma_wait3A_367 = arith.constant 0 : i32
      %dma_wait3A_368 = tpu.memref_slice %arg9[%dma_wait3A_365, %dma_wait3A_366, %dma_wait3A_367] : memref<4x128x128xf32, #tpu.memory_space<vmem>> -> memref<1x128x128xf32, #tpu.memory_space<vmem>>
      %dma_wait3A_369 = tpu.memref_squeeze %dma_wait3A_368 : memref<1x128x128xf32, #tpu.memory_space<vmem>> -> memref<128x128xf32, #tpu.memory_space<vmem>>
      %dma_wait3A_370 = arith.constant 0 : i32
      %dma_wait3A_371 = tpu.memref_slice %arg8[%add3A_364, %dma_wait3A_370] : memref<80x128xi32, #tpu.memory_space<vmem>> -> memref<1x128xi32, #tpu.memory_space<vmem>>
      %dma_wait3A_372 = tpu.memref_squeeze %dma_wait3A_371 : memref<1x128xi32, #tpu.memory_space<vmem>> -> memref<128xi32, #tpu.memory_space<vmem>>
      %dma_wait3A_373 = arith.constant 0 : i32
      %dma_wait3A_374 = arith.constant 0 : i32
      %dma_wait3A_375 = tpu.memref_slice %arg10[%dma_wait3A_373, %dma_wait3A_374] : memref<5120x128xf32, #tpu.memory_space<vmem_shared>> -> memref<5120x128xf32, #tpu.memory_space<vmem_shared>>
      tpu.wait_indirect_dma semaphore(%arg16 : memref<!tpu.dma_semaphore, #tpu.memory_space<semaphore_mem>>) src(%dma_wait3A_369 : memref<128x128xf32, #tpu.memory_space<vmem>>) dst(%dma_wait3A_375 : memref<5120x128xf32, #tpu.memory_space<vmem_shared>>)
      %add3A_376 = arith.constant 4 : i32
      %add3A_377 = arith.addi %mul3A_230, %add3A_376 : i32
      %add3A_378 = arith.constant 1 : i32
      %add3A_379 = arith.addi %add3A_377, %add3A_378 : i32
      %dma_start3A_380 = arith.constant 1 : i32
      %dma_start3A_381 = arith.constant 0 : i32
      %dma_start3A_382 = arith.constant 0 : i32
      %dma_start3A_383 = tpu.memref_slice %arg9[%dma_start3A_380, %dma_start3A_381, %dma_start3A_382] : memref<4x128x128xf32, #tpu.memory_space<vmem>> -> memref<1x128x128xf32, #tpu.memory_space<vmem>>
      %dma_start3A_384 = tpu.memref_squeeze %dma_start3A_383 : memref<1x128x128xf32, #tpu.memory_space<vmem>> -> memref<128x128xf32, #tpu.memory_space<vmem>>
      %dma_start3A_385 = arith.constant 0 : i32
      %dma_start3A_386 = tpu.memref_slice %arg7[%add3A_379, %dma_start3A_385] : memref<80x128xi32, #tpu.memory_space<vmem>> -> memref<1x128xi32, #tpu.memory_space<vmem>>
      %dma_start3A_387 = tpu.memref_squeeze %dma_start3A_386 : memref<1x128xi32, #tpu.memory_space<vmem>> -> memref<128xi32, #tpu.memory_space<vmem>>
      %dma_start3A_388 = arith.constant 0 : i32
      %dma_start3A_389 = arith.constant 0 : i32
      %dma_start3A_390 = tpu.memref_slice %arg2[%dma_start3A_388, %dma_start3A_389] : memref<10000x128xf32, #tpu.memory_space<hbm>> -> memref<10000x128xf32, #tpu.memory_space<hbm>>
      tpu.enqueue_indirect_dma source(%dma_start3A_390 : memref<10000x128xf32, #tpu.memory_space<hbm>>) target(%dma_start3A_384 : memref<128x128xf32, #tpu.memory_space<vmem>>) offsets(%dma_start3A_387 : memref<128xi32, #tpu.memory_space<vmem>>) semaphore(%arg12 : memref<!tpu.dma_semaphore, #tpu.memory_space<semaphore_mem>>)
      %add3A_391 = arith.constant 2 : i32
      %add3A_392 = arith.addi %mul3A_230, %add3A_391 : i32
      %dma_wait3A_393 = arith.constant 2 : i32
      %dma_wait3A_394 = arith.constant 0 : i32
      %dma_wait3A_395 = arith.constant 0 : i32
      %dma_wait3A_396 = tpu.memref_slice %arg9[%dma_wait3A_393, %dma_wait3A_394, %dma_wait3A_395] : memref<4x128x128xf32, #tpu.memory_space<vmem>> -> memref<1x128x128xf32, #tpu.memory_space<vmem>>
      %dma_wait3A_397 = tpu.memref_squeeze %dma_wait3A_396 : memref<1x128x128xf32, #tpu.memory_space<vmem>> -> memref<128x128xf32, #tpu.memory_space<vmem>>
      %dma_wait3A_398 = arith.constant 0 : i32
      %dma_wait3A_399 = tpu.memref_slice %arg8[%add3A_392, %dma_wait3A_398] : memref<80x128xi32, #tpu.memory_space<vmem>> -> memref<1x128xi32, #tpu.memory_space<vmem>>
      %dma_wait3A_400 = tpu.memref_squeeze %dma_wait3A_399 : memref<1x128xi32, #tpu.memory_space<vmem>> -> memref<128xi32, #tpu.memory_space<vmem>>
      %dma_wait3A_401 = arith.constant 0 : i32
      %dma_wait3A_402 = arith.constant 0 : i32
      %dma_wait3A_403 = tpu.memref_slice %arg10[%dma_wait3A_401, %dma_wait3A_402] : memref<5120x128xf32, #tpu.memory_space<vmem_shared>> -> memref<5120x128xf32, #tpu.memory_space<vmem_shared>>
      tpu.wait_indirect_dma semaphore(%arg17 : memref<!tpu.dma_semaphore, #tpu.memory_space<semaphore_mem>>) src(%dma_wait3A_397 : memref<128x128xf32, #tpu.memory_space<vmem>>) dst(%dma_wait3A_403 : memref<5120x128xf32, #tpu.memory_space<vmem_shared>>)
      %add3A_404 = arith.constant 4 : i32
      %add3A_405 = arith.addi %mul3A_230, %add3A_404 : i32
      %add3A_406 = arith.constant 2 : i32
      %add3A_407 = arith.addi %add3A_405, %add3A_406 : i32
      %dma_start3A_408 = arith.constant 2 : i32
      %dma_start3A_409 = arith.constant 0 : i32
      %dma_start3A_410 = arith.constant 0 : i32
      %dma_start3A_411 = tpu.memref_slice %arg9[%dma_start3A_408, %dma_start3A_409, %dma_start3A_410] : memref<4x128x128xf32, #tpu.memory_space<vmem>> -> memref<1x128x128xf32, #tpu.memory_space<vmem>>
      %dma_start3A_412 = tpu.memref_squeeze %dma_start3A_411 : memref<1x128x128xf32, #tpu.memory_space<vmem>> -> memref<128x128xf32, #tpu.memory_space<vmem>>
      %dma_start3A_413 = arith.constant 0 : i32
      %dma_start3A_414 = tpu.memref_slice %arg7[%add3A_407, %dma_start3A_413] : memref<80x128xi32, #tpu.memory_space<vmem>> -> memref<1x128xi32, #tpu.memory_space<vmem>>
      %dma_start3A_415 = tpu.memref_squeeze %dma_start3A_414 : memref<1x128xi32, #tpu.memory_space<vmem>> -> memref<128xi32, #tpu.memory_space<vmem>>
      %dma_start3A_416 = arith.constant 0 : i32
      %dma_start3A_417 = arith.constant 0 : i32
      %dma_start3A_418 = tpu.memref_slice %arg2[%dma_start3A_416, %dma_start3A_417] : memref<10000x128xf32, #tpu.memory_space<hbm>> -> memref<10000x128xf32, #tpu.memory_space<hbm>>
      tpu.enqueue_indirect_dma source(%dma_start3A_418 : memref<10000x128xf32, #tpu.memory_space<hbm>>) target(%dma_start3A_412 : memref<128x128xf32, #tpu.memory_space<vmem>>) offsets(%dma_start3A_415 : memref<128xi32, #tpu.memory_space<vmem>>) semaphore(%arg13 : memref<!tpu.dma_semaphore, #tpu.memory_space<semaphore_mem>>)
      %add3A_419 = arith.constant 3 : i32
      %add3A_420 = arith.addi %mul3A_230, %add3A_419 : i32
      %dma_wait3A_421 = arith.constant 3 : i32
      %dma_wait3A_422 = arith.constant 0 : i32
      %dma_wait3A_423 = arith.constant 0 : i32
      %dma_wait3A_424 = tpu.memref_slice %arg9[%dma_wait3A_421, %dma_wait3A_422, %dma_wait3A_423] : memref<4x128x128xf32, #tpu.memory_space<vmem>> -> memref<1x128x128xf32, #tpu.memory_space<vmem>>
      %dma_wait3A_425 = tpu.memref_squeeze %dma_wait3A_424 : memref<1x128x128xf32, #tpu.memory_space<vmem>> -> memref<128x128xf32, #tpu.memory_space<vmem>>
      %dma_wait3A_426 = arith.constant 0 : i32
      %dma_wait3A_427 = tpu.memref_slice %arg8[%add3A_420, %dma_wait3A_426] : memref<80x128xi32, #tpu.memory_space<vmem>> -> memref<1x128xi32, #tpu.memory_space<vmem>>
      %dma_wait3A_428 = tpu.memref_squeeze %dma_wait3A_427 : memref<1x128xi32, #tpu.memory_space<vmem>> -> memref<128xi32, #tpu.memory_space<vmem>>
      %dma_wait3A_429 = arith.constant 0 : i32
      %dma_wait3A_430 = arith.constant 0 : i32
      %dma_wait3A_431 = tpu.memref_slice %arg10[%dma_wait3A_429, %dma_wait3A_430] : memref<5120x128xf32, #tpu.memory_space<vmem_shared>> -> memref<5120x128xf32, #tpu.memory_space<vmem_shared>>
      tpu.wait_indirect_dma semaphore(%arg18 : memref<!tpu.dma_semaphore, #tpu.memory_space<semaphore_mem>>) src(%dma_wait3A_425 : memref<128x128xf32, #tpu.memory_space<vmem>>) dst(%dma_wait3A_431 : memref<5120x128xf32, #tpu.memory_space<vmem_shared>>)
      %add3A_432 = arith.constant 4 : i32
      %add3A_433 = arith.addi %mul3A_230, %add3A_432 : i32
      %add3A_434 = arith.constant 3 : i32
      %add3A_435 = arith.addi %add3A_433, %add3A_434 : i32
      %dma_start3A_436 = arith.constant 3 : i32
      %dma_start3A_437 = arith.constant 0 : i32
      %dma_start3A_438 = arith.constant 0 : i32
      %dma_start3A_439 = tpu.memref_slice %arg9[%dma_start3A_436, %dma_start3A_437, %dma_start3A_438] : memref<4x128x128xf32, #tpu.memory_space<vmem>> -> memref<1x128x128xf32, #tpu.memory_space<vmem>>
      %dma_start3A_440 = tpu.memref_squeeze %dma_start3A_439 : memref<1x128x128xf32, #tpu.memory_space<vmem>> -> memref<128x128xf32, #tpu.memory_space<vmem>>
      %dma_start3A_441 = arith.constant 0 : i32
      %dma_start3A_442 = tpu.memref_slice %arg7[%add3A_435, %dma_start3A_441] : memref<80x128xi32, #tpu.memory_space<vmem>> -> memref<1x128xi32, #tpu.memory_space<vmem>>
      %dma_start3A_443 = tpu.memref_squeeze %dma_start3A_442 : memref<1x128xi32, #tpu.memory_space<vmem>> -> memref<128xi32, #tpu.memory_space<vmem>>
      %dma_start3A_444 = arith.constant 0 : i32
      %dma_start3A_445 = arith.constant 0 : i32
      %dma_start3A_446 = tpu.memref_slice %arg2[%dma_start3A_444, %dma_start3A_445] : memref<10000x128xf32, #tpu.memory_space<hbm>> -> memref<10000x128xf32, #tpu.memory_space<hbm>>
      tpu.enqueue_indirect_dma source(%dma_start3A_446 : memref<10000x128xf32, #tpu.memory_space<hbm>>) target(%dma_start3A_440 : memref<128x128xf32, #tpu.memory_space<vmem>>) offsets(%dma_start3A_443 : memref<128xi32, #tpu.memory_space<vmem>>) semaphore(%arg14 : memref<!tpu.dma_semaphore, #tpu.memory_space<semaphore_mem>>)
      %eq3A = arith.constant 8 : i32
      %eq3A_447 = arith.cmpi eq, %scan3A_228, %eq3A : i32
      %convert_element_type3A = arith.extui %eq3A_447 : i1 to i32
      %cond3A = arith.constant 0 : i32
      %cond3A_448 = arith.cmpi ne, %convert_element_type3A, %cond3A : i32
      scf.if %cond3A_448 {
        %add3A_454 = arith.constant 0 : i32
        %add3A_455 = arith.addi %mul3A_49, %add3A_454 : i32
        %mul3A_456 = arith.constant 320 : i32
        %mul3A_457 = arith.muli %add3A, %mul3A_456 : i32
        %add3A_458 = arith.constant 0 : i32
        %add3A_459 = arith.addi %mul3A_457, %add3A_458 : i32
        %dma_start3A_460 = arith.constant 0 : i32
        %dma_start3A_461 = tpu.memref_slice %arg6[%add3A_459, %dma_start3A_460] : memref<10240x128xf32, #tpu.memory_space<hbm>> -> memref<128x128xf32, #tpu.memory_space<hbm>>
        %dma_start3A_462 = arith.constant 0 : i32
        %dma_start3A_463 = tpu.memref_slice %arg10[%add3A_455, %dma_start3A_462] : memref<5120x128xf32, #tpu.memory_space<vmem_shared>> -> memref<128x128xf32, #tpu.memory_space<vmem_shared>>
        tpu.enqueue_dma source(%dma_start3A_463 : memref<128x128xf32, #tpu.memory_space<vmem_shared>>) target(%dma_start3A_461 : memref<128x128xf32, #tpu.memory_space<hbm>>) target_semaphore(%arg19 : memref<!tpu.dma_semaphore, #tpu.memory_space<semaphore_mem>>)
      } else {
      }
      %eq3A_449 = arith.constant 16 : i32
      %eq3A_450 = arith.cmpi eq, %scan3A_228, %eq3A_449 : i32
      %convert_element_type3A_451 = arith.extui %eq3A_450 : i1 to i32
      %cond3A_452 = arith.constant 0 : i32
      %cond3A_453 = arith.cmpi ne, %convert_element_type3A_451, %cond3A_452 : i32
      scf.if %cond3A_453 {
        %add3A_454 = arith.constant 128 : i32
        %add3A_455 = arith.addi %mul3A_49, %add3A_454 : i32
        %mul3A_456 = arith.constant 320 : i32
        %mul3A_457 = arith.muli %add3A, %mul3A_456 : i32
        %add3A_458 = arith.constant 128 : i32
        %add3A_459 = arith.addi %mul3A_457, %add3A_458 : i32
        %dma_start3A_460 = arith.constant 0 : i32
        %dma_start3A_461 = tpu.memref_slice %arg6[%add3A_459, %dma_start3A_460] : memref<10240x128xf32, #tpu.memory_space<hbm>> -> memref<128x128xf32, #tpu.memory_space<hbm>>
        %dma_start3A_462 = arith.constant 0 : i32
        %dma_start3A_463 = tpu.memref_slice %arg10[%add3A_455, %dma_start3A_462] : memref<5120x128xf32, #tpu.memory_space<vmem_shared>> -> memref<128x128xf32, #tpu.memory_space<vmem_shared>>
        tpu.enqueue_dma source(%dma_start3A_463 : memref<128x128xf32, #tpu.memory_space<vmem_shared>>) target(%dma_start3A_461 : memref<128x128xf32, #tpu.memory_space<hbm>>) target_semaphore(%arg19 : memref<!tpu.dma_semaphore, #tpu.memory_space<semaphore_mem>>)
      } else {
      }
    }
    %scan3A_58 = arith.constant 19 : i32
    %dma_wait3A = arith.constant 76 : i32
    %dma_wait3A_59 = arith.constant 0 : i32
    %dma_wait3A_60 = arith.constant 0 : i32
    %dma_wait3A_61 = arith.constant 0 : i32
    %dma_wait3A_62 = tpu.memref_slice %arg9[%dma_wait3A_59, %dma_wait3A_60, %dma_wait3A_61] : memref<4x128x128xf32, #tpu.memory_space<vmem>> -> memref<1x128x128xf32, #tpu.memory_space<vmem>>
    %dma_wait3A_63 = tpu.memref_squeeze %dma_wait3A_62 : memref<1x128x128xf32, #tpu.memory_space<vmem>> -> memref<128x128xf32, #tpu.memory_space<vmem>>
    %dma_wait3A_64 = arith.constant 0 : i32
    %dma_wait3A_65 = tpu.memref_slice %arg7[%dma_wait3A, %dma_wait3A_64] : memref<80x128xi32, #tpu.memory_space<vmem>> -> memref<1x128xi32, #tpu.memory_space<vmem>>
    %dma_wait3A_66 = tpu.memref_squeeze %dma_wait3A_65 : memref<1x128xi32, #tpu.memory_space<vmem>> -> memref<128xi32, #tpu.memory_space<vmem>>
    %dma_wait3A_67 = arith.constant 0 : i32
    %dma_wait3A_68 = arith.constant 0 : i32
    %dma_wait3A_69 = tpu.memref_slice %arg2[%dma_wait3A_67, %dma_wait3A_68] : memref<10000x128xf32, #tpu.memory_space<hbm>> -> memref<10000x128xf32, #tpu.memory_space<hbm>>
    tpu.wait_indirect_dma semaphore(%arg11 : memref<!tpu.dma_semaphore, #tpu.memory_space<semaphore_mem>>) src(%dma_wait3A_69 : memref<10000x128xf32, #tpu.memory_space<hbm>>) dst(%dma_wait3A_63 : memref<128x128xf32, #tpu.memory_space<vmem>>)
    %dma_start3A_70 = arith.constant 0 : i32
    %dma_start3A_71 = arith.constant 76 : i32
    %dma_start3A_72 = arith.constant 0 : i32
    %dma_start3A_73 = arith.constant 0 : i32
    %dma_start3A_74 = tpu.memref_slice %arg9[%dma_start3A_70, %dma_start3A_72, %dma_start3A_73] : memref<4x128x128xf32, #tpu.memory_space<vmem>> -> memref<1x128x128xf32, #tpu.memory_space<vmem>>
    %dma_start3A_75 = tpu.memref_squeeze %dma_start3A_74 : memref<1x128x128xf32, #tpu.memory_space<vmem>> -> memref<128x128xf32, #tpu.memory_space<vmem>>
    %dma_start3A_76 = arith.constant 0 : i32
    %dma_start3A_77 = tpu.memref_slice %arg8[%dma_start3A_71, %dma_start3A_76] : memref<80x128xi32, #tpu.memory_space<vmem>> -> memref<1x128xi32, #tpu.memory_space<vmem>>
    %dma_start3A_78 = tpu.memref_squeeze %dma_start3A_77 : memref<1x128xi32, #tpu.memory_space<vmem>> -> memref<128xi32, #tpu.memory_space<vmem>>
    %dma_start3A_79 = arith.constant 0 : i32
    %dma_start3A_80 = arith.constant 0 : i32
    %dma_start3A_81 = tpu.memref_slice %arg10[%dma_start3A_79, %dma_start3A_80] : memref<5120x128xf32, #tpu.memory_space<vmem_shared>> -> memref<5120x128xf32, #tpu.memory_space<vmem_shared>>
    tpu.enqueue_indirect_dma source(%dma_start3A_75 : memref<128x128xf32, #tpu.memory_space<vmem>>) target(%dma_start3A_81 : memref<5120x128xf32, #tpu.memory_space<vmem_shared>>) offsets(%dma_start3A_78 : memref<128xi32, #tpu.memory_space<vmem>>) semaphore(%arg15 : memref<!tpu.dma_semaphore, #tpu.memory_space<semaphore_mem>>) {add = true}
    %dma_wait3A_82 = arith.constant 77 : i32
    %dma_wait3A_83 = arith.constant 1 : i32
    %dma_wait3A_84 = arith.constant 0 : i32
    %dma_wait3A_85 = arith.constant 0 : i32
    %dma_wait3A_86 = tpu.memref_slice %arg9[%dma_wait3A_83, %dma_wait3A_84, %dma_wait3A_85] : memref<4x128x128xf32, #tpu.memory_space<vmem>> -> memref<1x128x128xf32, #tpu.memory_space<vmem>>
    %dma_wait3A_87 = tpu.memref_squeeze %dma_wait3A_86 : memref<1x128x128xf32, #tpu.memory_space<vmem>> -> memref<128x128xf32, #tpu.memory_space<vmem>>
    %dma_wait3A_88 = arith.constant 0 : i32
    %dma_wait3A_89 = tpu.memref_slice %arg7[%dma_wait3A_82, %dma_wait3A_88] : memref<80x128xi32, #tpu.memory_space<vmem>> -> memref<1x128xi32, #tpu.memory_space<vmem>>
    %dma_wait3A_90 = tpu.memref_squeeze %dma_wait3A_89 : memref<1x128xi32, #tpu.memory_space<vmem>> -> memref<128xi32, #tpu.memory_space<vmem>>
    %dma_wait3A_91 = arith.constant 0 : i32
    %dma_wait3A_92 = arith.constant 0 : i32
    %dma_wait3A_93 = tpu.memref_slice %arg2[%dma_wait3A_91, %dma_wait3A_92] : memref<10000x128xf32, #tpu.memory_space<hbm>> -> memref<10000x128xf32, #tpu.memory_space<hbm>>
    tpu.wait_indirect_dma semaphore(%arg12 : memref<!tpu.dma_semaphore, #tpu.memory_space<semaphore_mem>>) src(%dma_wait3A_93 : memref<10000x128xf32, #tpu.memory_space<hbm>>) dst(%dma_wait3A_87 : memref<128x128xf32, #tpu.memory_space<vmem>>)
    %dma_start3A_94 = arith.constant 1 : i32
    %dma_start3A_95 = arith.constant 77 : i32
    %dma_start3A_96 = arith.constant 0 : i32
    %dma_start3A_97 = arith.constant 0 : i32
    %dma_start3A_98 = tpu.memref_slice %arg9[%dma_start3A_94, %dma_start3A_96, %dma_start3A_97] : memref<4x128x128xf32, #tpu.memory_space<vmem>> -> memref<1x128x128xf32, #tpu.memory_space<vmem>>
    %dma_start3A_99 = tpu.memref_squeeze %dma_start3A_98 : memref<1x128x128xf32, #tpu.memory_space<vmem>> -> memref<128x128xf32, #tpu.memory_space<vmem>>
    %dma_start3A_100 = arith.constant 0 : i32
    %dma_start3A_101 = tpu.memref_slice %arg8[%dma_start3A_95, %dma_start3A_100] : memref<80x128xi32, #tpu.memory_space<vmem>> -> memref<1x128xi32, #tpu.memory_space<vmem>>
    %dma_start3A_102 = tpu.memref_squeeze %dma_start3A_101 : memref<1x128xi32, #tpu.memory_space<vmem>> -> memref<128xi32, #tpu.memory_space<vmem>>
    %dma_start3A_103 = arith.constant 0 : i32
    %dma_start3A_104 = arith.constant 0 : i32
    %dma_start3A_105 = tpu.memref_slice %arg10[%dma_start3A_103, %dma_start3A_104] : memref<5120x128xf32, #tpu.memory_space<vmem_shared>> -> memref<5120x128xf32, #tpu.memory_space<vmem_shared>>
    tpu.enqueue_indirect_dma source(%dma_start3A_99 : memref<128x128xf32, #tpu.memory_space<vmem>>) target(%dma_start3A_105 : memref<5120x128xf32, #tpu.memory_space<vmem_shared>>) offsets(%dma_start3A_102 : memref<128xi32, #tpu.memory_space<vmem>>) semaphore(%arg16 : memref<!tpu.dma_semaphore, #tpu.memory_space<semaphore_mem>>) {add = true}
    %dma_wait3A_106 = arith.constant 78 : i32
    %dma_wait3A_107 = arith.constant 2 : i32
    %dma_wait3A_108 = arith.constant 0 : i32
    %dma_wait3A_109 = arith.constant 0 : i32
    %dma_wait3A_110 = tpu.memref_slice %arg9[%dma_wait3A_107, %dma_wait3A_108, %dma_wait3A_109] : memref<4x128x128xf32, #tpu.memory_space<vmem>> -> memref<1x128x128xf32, #tpu.memory_space<vmem>>
    %dma_wait3A_111 = tpu.memref_squeeze %dma_wait3A_110 : memref<1x128x128xf32, #tpu.memory_space<vmem>> -> memref<128x128xf32, #tpu.memory_space<vmem>>
    %dma_wait3A_112 = arith.constant 0 : i32
    %dma_wait3A_113 = tpu.memref_slice %arg7[%dma_wait3A_106, %dma_wait3A_112] : memref<80x128xi32, #tpu.memory_space<vmem>> -> memref<1x128xi32, #tpu.memory_space<vmem>>
    %dma_wait3A_114 = tpu.memref_squeeze %dma_wait3A_113 : memref<1x128xi32, #tpu.memory_space<vmem>> -> memref<128xi32, #tpu.memory_space<vmem>>
    %dma_wait3A_115 = arith.constant 0 : i32
    %dma_wait3A_116 = arith.constant 0 : i32
    %dma_wait3A_117 = tpu.memref_slice %arg2[%dma_wait3A_115, %dma_wait3A_116] : memref<10000x128xf32, #tpu.memory_space<hbm>> -> memref<10000x128xf32, #tpu.memory_space<hbm>>
    tpu.wait_indirect_dma semaphore(%arg13 : memref<!tpu.dma_semaphore, #tpu.memory_space<semaphore_mem>>) src(%dma_wait3A_117 : memref<10000x128xf32, #tpu.memory_space<hbm>>) dst(%dma_wait3A_111 : memref<128x128xf32, #tpu.memory_space<vmem>>)
    %dma_start3A_118 = arith.constant 2 : i32
    %dma_start3A_119 = arith.constant 78 : i32
    %dma_start3A_120 = arith.constant 0 : i32
    %dma_start3A_121 = arith.constant 0 : i32
    %dma_start3A_122 = tpu.memref_slice %arg9[%dma_start3A_118, %dma_start3A_120, %dma_start3A_121] : memref<4x128x128xf32, #tpu.memory_space<vmem>> -> memref<1x128x128xf32, #tpu.memory_space<vmem>>
    %dma_start3A_123 = tpu.memref_squeeze %dma_start3A_122 : memref<1x128x128xf32, #tpu.memory_space<vmem>> -> memref<128x128xf32, #tpu.memory_space<vmem>>
    %dma_start3A_124 = arith.constant 0 : i32
    %dma_start3A_125 = tpu.memref_slice %arg8[%dma_start3A_119, %dma_start3A_124] : memref<80x128xi32, #tpu.memory_space<vmem>> -> memref<1x128xi32, #tpu.memory_space<vmem>>
    %dma_start3A_126 = tpu.memref_squeeze %dma_start3A_125 : memref<1x128xi32, #tpu.memory_space<vmem>> -> memref<128xi32, #tpu.memory_space<vmem>>
    %dma_start3A_127 = arith.constant 0 : i32
    %dma_start3A_128 = arith.constant 0 : i32
    %dma_start3A_129 = tpu.memref_slice %arg10[%dma_start3A_127, %dma_start3A_128] : memref<5120x128xf32, #tpu.memory_space<vmem_shared>> -> memref<5120x128xf32, #tpu.memory_space<vmem_shared>>
    tpu.enqueue_indirect_dma source(%dma_start3A_123 : memref<128x128xf32, #tpu.memory_space<vmem>>) target(%dma_start3A_129 : memref<5120x128xf32, #tpu.memory_space<vmem_shared>>) offsets(%dma_start3A_126 : memref<128xi32, #tpu.memory_space<vmem>>) semaphore(%arg17 : memref<!tpu.dma_semaphore, #tpu.memory_space<semaphore_mem>>) {add = true}
    %dma_wait3A_130 = arith.constant 79 : i32
    %dma_wait3A_131 = arith.constant 3 : i32
    %dma_wait3A_132 = arith.constant 0 : i32
    %dma_wait3A_133 = arith.constant 0 : i32
    %dma_wait3A_134 = tpu.memref_slice %arg9[%dma_wait3A_131, %dma_wait3A_132, %dma_wait3A_133] : memref<4x128x128xf32, #tpu.memory_space<vmem>> -> memref<1x128x128xf32, #tpu.memory_space<vmem>>
    %dma_wait3A_135 = tpu.memref_squeeze %dma_wait3A_134 : memref<1x128x128xf32, #tpu.memory_space<vmem>> -> memref<128x128xf32, #tpu.memory_space<vmem>>
    %dma_wait3A_136 = arith.constant 0 : i32
    %dma_wait3A_137 = tpu.memref_slice %arg7[%dma_wait3A_130, %dma_wait3A_136] : memref<80x128xi32, #tpu.memory_space<vmem>> -> memref<1x128xi32, #tpu.memory_space<vmem>>
    %dma_wait3A_138 = tpu.memref_squeeze %dma_wait3A_137 : memref<1x128xi32, #tpu.memory_space<vmem>> -> memref<128xi32, #tpu.memory_space<vmem>>
    %dma_wait3A_139 = arith.constant 0 : i32
    %dma_wait3A_140 = arith.constant 0 : i32
    %dma_wait3A_141 = tpu.memref_slice %arg2[%dma_wait3A_139, %dma_wait3A_140] : memref<10000x128xf32, #tpu.memory_space<hbm>> -> memref<10000x128xf32, #tpu.memory_space<hbm>>
    tpu.wait_indirect_dma semaphore(%arg14 : memref<!tpu.dma_semaphore, #tpu.memory_space<semaphore_mem>>) src(%dma_wait3A_141 : memref<10000x128xf32, #tpu.memory_space<hbm>>) dst(%dma_wait3A_135 : memref<128x128xf32, #tpu.memory_space<vmem>>)
    %dma_start3A_142 = arith.constant 3 : i32
    %dma_start3A_143 = arith.constant 79 : i32
    %dma_start3A_144 = arith.constant 0 : i32
    %dma_start3A_145 = arith.constant 0 : i32
    %dma_start3A_146 = tpu.memref_slice %arg9[%dma_start3A_142, %dma_start3A_144, %dma_start3A_145] : memref<4x128x128xf32, #tpu.memory_space<vmem>> -> memref<1x128x128xf32, #tpu.memory_space<vmem>>
    %dma_start3A_147 = tpu.memref_squeeze %dma_start3A_146 : memref<1x128x128xf32, #tpu.memory_space<vmem>> -> memref<128x128xf32, #tpu.memory_space<vmem>>
    %dma_start3A_148 = arith.constant 0 : i32
    %dma_start3A_149 = tpu.memref_slice %arg8[%dma_start3A_143, %dma_start3A_148] : memref<80x128xi32, #tpu.memory_space<vmem>> -> memref<1x128xi32, #tpu.memory_space<vmem>>
    %dma_start3A_150 = tpu.memref_squeeze %dma_start3A_149 : memref<1x128xi32, #tpu.memory_space<vmem>> -> memref<128xi32, #tpu.memory_space<vmem>>
    %dma_start3A_151 = arith.constant 0 : i32
    %dma_start3A_152 = arith.constant 0 : i32
    %dma_start3A_153 = tpu.memref_slice %arg10[%dma_start3A_151, %dma_start3A_152] : memref<5120x128xf32, #tpu.memory_space<vmem_shared>> -> memref<5120x128xf32, #tpu.memory_space<vmem_shared>>
    tpu.enqueue_indirect_dma source(%dma_start3A_147 : memref<128x128xf32, #tpu.memory_space<vmem>>) target(%dma_start3A_153 : memref<5120x128xf32, #tpu.memory_space<vmem_shared>>) offsets(%dma_start3A_150 : memref<128xi32, #tpu.memory_space<vmem>>) semaphore(%arg18 : memref<!tpu.dma_semaphore, #tpu.memory_space<semaphore_mem>>) {add = true}
    %dma_wait3A_154 = arith.constant 0 : i32
    %dma_wait3A_155 = arith.constant 76 : i32
    %dma_wait3A_156 = arith.constant 0 : i32
    %dma_wait3A_157 = arith.constant 0 : i32
    %dma_wait3A_158 = tpu.memref_slice %arg9[%dma_wait3A_154, %dma_wait3A_156, %dma_wait3A_157] : memref<4x128x128xf32, #tpu.memory_space<vmem>> -> memref<1x128x128xf32, #tpu.memory_space<vmem>>
    %dma_wait3A_159 = tpu.memref_squeeze %dma_wait3A_158 : memref<1x128x128xf32, #tpu.memory_space<vmem>> -> memref<128x128xf32, #tpu.memory_space<vmem>>
    %dma_wait3A_160 = arith.constant 0 : i32
    %dma_wait3A_161 = tpu.memref_slice %arg8[%dma_wait3A_155, %dma_wait3A_160] : memref<80x128xi32, #tpu.memory_space<vmem>> -> memref<1x128xi32, #tpu.memory_space<vmem>>
    %dma_wait3A_162 = tpu.memref_squeeze %dma_wait3A_161 : memref<1x128xi32, #tpu.memory_space<vmem>> -> memref<128xi32, #tpu.memory_space<vmem>>
    %dma_wait3A_163 = arith.constant 0 : i32
    %dma_wait3A_164 = arith.constant 0 : i32
    %dma_wait3A_165 = tpu.memref_slice %arg10[%dma_wait3A_163, %dma_wait3A_164] : memref<5120x128xf32, #tpu.memory_space<vmem_shared>> -> memref<5120x128xf32, #tpu.memory_space<vmem_shared>>
    tpu.wait_indirect_dma semaphore(%arg15 : memref<!tpu.dma_semaphore, #tpu.memory_space<semaphore_mem>>) src(%dma_wait3A_159 : memref<128x128xf32, #tpu.memory_space<vmem>>) dst(%dma_wait3A_165 : memref<5120x128xf32, #tpu.memory_space<vmem_shared>>)
    %dma_wait3A_166 = arith.constant 1 : i32
    %dma_wait3A_167 = arith.constant 77 : i32
    %dma_wait3A_168 = arith.constant 0 : i32
    %dma_wait3A_169 = arith.constant 0 : i32
    %dma_wait3A_170 = tpu.memref_slice %arg9[%dma_wait3A_166, %dma_wait3A_168, %dma_wait3A_169] : memref<4x128x128xf32, #tpu.memory_space<vmem>> -> memref<1x128x128xf32, #tpu.memory_space<vmem>>
    %dma_wait3A_171 = tpu.memref_squeeze %dma_wait3A_170 : memref<1x128x128xf32, #tpu.memory_space<vmem>> -> memref<128x128xf32, #tpu.memory_space<vmem>>
    %dma_wait3A_172 = arith.constant 0 : i32
    %dma_wait3A_173 = tpu.memref_slice %arg8[%dma_wait3A_167, %dma_wait3A_172] : memref<80x128xi32, #tpu.memory_space<vmem>> -> memref<1x128xi32, #tpu.memory_space<vmem>>
    %dma_wait3A_174 = tpu.memref_squeeze %dma_wait3A_173 : memref<1x128xi32, #tpu.memory_space<vmem>> -> memref<128xi32, #tpu.memory_space<vmem>>
    %dma_wait3A_175 = arith.constant 0 : i32
    %dma_wait3A_176 = arith.constant 0 : i32
    %dma_wait3A_177 = tpu.memref_slice %arg10[%dma_wait3A_175, %dma_wait3A_176] : memref<5120x128xf32, #tpu.memory_space<vmem_shared>> -> memref<5120x128xf32, #tpu.memory_space<vmem_shared>>
    tpu.wait_indirect_dma semaphore(%arg16 : memref<!tpu.dma_semaphore, #tpu.memory_space<semaphore_mem>>) src(%dma_wait3A_171 : memref<128x128xf32, #tpu.memory_space<vmem>>) dst(%dma_wait3A_177 : memref<5120x128xf32, #tpu.memory_space<vmem_shared>>)
    %dma_wait3A_178 = arith.constant 2 : i32
    %dma_wait3A_179 = arith.constant 78 : i32
    %dma_wait3A_180 = arith.constant 0 : i32
    %dma_wait3A_181 = arith.constant 0 : i32
    %dma_wait3A_182 = tpu.memref_slice %arg9[%dma_wait3A_178, %dma_wait3A_180, %dma_wait3A_181] : memref<4x128x128xf32, #tpu.memory_space<vmem>> -> memref<1x128x128xf32, #tpu.memory_space<vmem>>
    %dma_wait3A_183 = tpu.memref_squeeze %dma_wait3A_182 : memref<1x128x128xf32, #tpu.memory_space<vmem>> -> memref<128x128xf32, #tpu.memory_space<vmem>>
    %dma_wait3A_184 = arith.constant 0 : i32
    %dma_wait3A_185 = tpu.memref_slice %arg8[%dma_wait3A_179, %dma_wait3A_184] : memref<80x128xi32, #tpu.memory_space<vmem>> -> memref<1x128xi32, #tpu.memory_space<vmem>>
    %dma_wait3A_186 = tpu.memref_squeeze %dma_wait3A_185 : memref<1x128xi32, #tpu.memory_space<vmem>> -> memref<128xi32, #tpu.memory_space<vmem>>
    %dma_wait3A_187 = arith.constant 0 : i32
    %dma_wait3A_188 = arith.constant 0 : i32
    %dma_wait3A_189 = tpu.memref_slice %arg10[%dma_wait3A_187, %dma_wait3A_188] : memref<5120x128xf32, #tpu.memory_space<vmem_shared>> -> memref<5120x128xf32, #tpu.memory_space<vmem_shared>>
    tpu.wait_indirect_dma semaphore(%arg17 : memref<!tpu.dma_semaphore, #tpu.memory_space<semaphore_mem>>) src(%dma_wait3A_183 : memref<128x128xf32, #tpu.memory_space<vmem>>) dst(%dma_wait3A_189 : memref<5120x128xf32, #tpu.memory_space<vmem_shared>>)
    %dma_wait3A_190 = arith.constant 3 : i32
    %dma_wait3A_191 = arith.constant 79 : i32
    %dma_wait3A_192 = arith.constant 0 : i32
    %dma_wait3A_193 = arith.constant 0 : i32
    %dma_wait3A_194 = tpu.memref_slice %arg9[%dma_wait3A_190, %dma_wait3A_192, %dma_wait3A_193] : memref<4x128x128xf32, #tpu.memory_space<vmem>> -> memref<1x128x128xf32, #tpu.memory_space<vmem>>
    %dma_wait3A_195 = tpu.memref_squeeze %dma_wait3A_194 : memref<1x128x128xf32, #tpu.memory_space<vmem>> -> memref<128x128xf32, #tpu.memory_space<vmem>>
    %dma_wait3A_196 = arith.constant 0 : i32
    %dma_wait3A_197 = tpu.memref_slice %arg8[%dma_wait3A_191, %dma_wait3A_196] : memref<80x128xi32, #tpu.memory_space<vmem>> -> memref<1x128xi32, #tpu.memory_space<vmem>>
    %dma_wait3A_198 = tpu.memref_squeeze %dma_wait3A_197 : memref<1x128xi32, #tpu.memory_space<vmem>> -> memref<128xi32, #tpu.memory_space<vmem>>
    %dma_wait3A_199 = arith.constant 0 : i32
    %dma_wait3A_200 = arith.constant 0 : i32
    %dma_wait3A_201 = tpu.memref_slice %arg10[%dma_wait3A_199, %dma_wait3A_200] : memref<5120x128xf32, #tpu.memory_space<vmem_shared>> -> memref<5120x128xf32, #tpu.memory_space<vmem_shared>>
    tpu.wait_indirect_dma semaphore(%arg18 : memref<!tpu.dma_semaphore, #tpu.memory_space<semaphore_mem>>) src(%dma_wait3A_195 : memref<128x128xf32, #tpu.memory_space<vmem>>) dst(%dma_wait3A_201 : memref<5120x128xf32, #tpu.memory_space<vmem_shared>>)
    %add3A_202 = arith.constant 256 : i32
    %add3A_203 = arith.addi %mul3A_49, %add3A_202 : i32
    %mul3A_204 = arith.constant 320 : i32
    %mul3A_205 = arith.muli %add3A, %mul3A_204 : i32
    %add3A_206 = arith.constant 256 : i32
    %add3A_207 = arith.addi %mul3A_205, %add3A_206 : i32
    "tpu.region"() ({
      %run_scoped3A = tpu.sem_alloc : memref<!tpu.dma_semaphore, #tpu.memory_space<semaphore_mem>>
      %dma_start3A_228 = arith.constant 0 : i32
      %dma_start3A_229 = tpu.memref_slice %arg6[%add3A_207, %dma_start3A_228] : memref<10240x128xf32, #tpu.memory_space<hbm>> -> memref<64x128xf32, #tpu.memory_space<hbm>>
      %dma_start3A_230 = arith.constant 0 : i32
      %dma_start3A_231 = tpu.memref_slice %arg10[%add3A_203, %dma_start3A_230] : memref<5120x128xf32, #tpu.memory_space<vmem_shared>> -> memref<64x128xf32, #tpu.memory_space<vmem_shared>>
      tpu.enqueue_dma source(%dma_start3A_231 : memref<64x128xf32, #tpu.memory_space<vmem_shared>>) target(%dma_start3A_229 : memref<64x128xf32, #tpu.memory_space<hbm>>) target_semaphore(%run_scoped3A : memref<!tpu.dma_semaphore, #tpu.memory_space<semaphore_mem>>)
      %dma_wait3A_232 = arith.constant 0 : i32
      %dma_wait3A_233 = tpu.memref_slice %arg6[%add3A_207, %dma_wait3A_232] : memref<10240x128xf32, #tpu.memory_space<hbm>> -> memref<64x128xf32, #tpu.memory_space<hbm>>
      %dma_wait3A_234 = arith.constant 0 : i32
      %dma_wait3A_235 = tpu.memref_slice %arg10[%add3A_203, %dma_wait3A_234] : memref<5120x128xf32, #tpu.memory_space<vmem_shared>> -> memref<64x128xf32, #tpu.memory_space<vmem_shared>>
      tpu.wait_dma2 semaphore(%run_scoped3A : memref<!tpu.dma_semaphore, #tpu.memory_space<semaphore_mem>>) src(%dma_wait3A_235 : memref<64x128xf32, #tpu.memory_space<vmem_shared>>) dst(%dma_wait3A_233 : memref<64x128xf32, #tpu.memory_space<hbm>>)
      tpu.yield
    }) : () -> ()
    %add3A_208 = arith.constant 0 : i32
    %add3A_209 = arith.addi %mul3A_49, %add3A_208 : i32
    %mul3A_210 = arith.constant 320 : i32
    %mul3A_211 = arith.muli %add3A, %mul3A_210 : i32
    %add3A_212 = arith.constant 0 : i32
    %add3A_213 = arith.addi %mul3A_211, %add3A_212 : i32
    %dma_wait3A_214 = arith.constant 0 : i32
    %dma_wait3A_215 = tpu.memref_slice %arg6[%add3A_213, %dma_wait3A_214] : memref<10240x128xf32, #tpu.memory_space<hbm>> -> memref<128x128xf32, #tpu.memory_space<hbm>>
    %dma_wait3A_216 = arith.constant 0 : i32
    %dma_wait3A_217 = tpu.memref_slice %arg10[%add3A_209, %dma_wait3A_216] : memref<5120x128xf32, #tpu.memory_space<vmem_shared>> -> memref<128x128xf32, #tpu.memory_space<vmem_shared>>
    tpu.wait_dma2 semaphore(%arg19 : memref<!tpu.dma_semaphore, #tpu.memory_space<semaphore_mem>>) src(%dma_wait3A_217 : memref<128x128xf32, #tpu.memory_space<vmem_shared>>) dst(%dma_wait3A_215 : memref<128x128xf32, #tpu.memory_space<hbm>>)
    %add3A_218 = arith.constant 128 : i32
    %add3A_219 = arith.addi %mul3A_49, %add3A_218 : i32
    %mul3A_220 = arith.constant 320 : i32
    %mul3A_221 = arith.muli %add3A, %mul3A_220 : i32
    %add3A_222 = arith.constant 128 : i32
    %add3A_223 = arith.addi %mul3A_221, %add3A_222 : i32
    %dma_wait3A_224 = arith.constant 0 : i32
    %dma_wait3A_225 = tpu.memref_slice %arg6[%add3A_223, %dma_wait3A_224] : memref<10240x128xf32, #tpu.memory_space<hbm>> -> memref<128x128xf32, #tpu.memory_space<hbm>>
    %dma_wait3A_226 = arith.constant 0 : i32
    %dma_wait3A_227 = tpu.memref_slice %arg10[%add3A_219, %dma_wait3A_226] : memref<5120x128xf32, #tpu.memory_space<vmem_shared>> -> memref<128x128xf32, #tpu.memory_space<vmem_shared>>
    tpu.wait_dma2 semaphore(%arg19 : memref<!tpu.dma_semaphore, #tpu.memory_space<semaphore_mem>>) src(%dma_wait3A_227 : memref<128x128xf32, #tpu.memory_space<vmem_shared>>) dst(%dma_wait3A_225 : memref<128x128xf32, #tpu.memory_space<hbm>>)
    return
  }
}

module attributes {stable_mosaic.version = 14 : i64} {
  func.func @_mm_body(%arg0: i32, %arg1: memref<2000x128xf32, #tpu.memory_space<vmem>>, %arg2: memref<2000x128xf32, #tpu.memory_space<vmem>>, %arg3: memref<128x128xf32, #tpu.memory_space<vmem>>, %arg4: memref<128x128xf32, #tpu.memory_space<vmem>>, %arg5: memref<1x128xf32, #tpu.memory_space<vmem>>, %arg6: memref<2000x128xf32, #tpu.memory_space<vmem>>) attributes {dimension_semantics = [#tpu.dimension_semantics<arbitrary>], iteration_bounds = array<i64: 5>, scalar_prefetch = 0 : i64, scratch_operands = 0 : i64, tpu.core_type = #tpu.core_type<tc>, window_params = [{transform_indices = @transform_0, window_bounds = array<i64: 2000, 128>}, {transform_indices = @transform_1, window_bounds = array<i64: 2000, 128>}, {transform_indices = @transform_2, window_bounds = array<i64: 128, 128>}, {transform_indices = @transform_3, window_bounds = array<i64: 128, 128>}, {pipeline_mode = #tpu.pipeline_mode<synchronous>, transform_indices = @transform_4, window_bounds = array<i64: 1, 128>}, {transform_indices = @transform_5, window_bounds = array<i64: 2000, 128>}]} {
    %get3A = arith.constant 0 : index
    %get3A_0 = arith.constant 0 : index
    %get3A_1 = vector.load %arg1[%get3A, %get3A_0] : memref<2000x128xf32, #tpu.memory_space<vmem>>, vector<2000x128xf32>
    %get3A_2 = arith.constant 0 : index
    %get3A_3 = arith.constant 0 : index
    %get3A_4 = vector.load %arg3[%get3A_2, %get3A_3] : memref<128x128xf32, #tpu.memory_space<vmem>>, vector<128x128xf32>
    %dot_general3A = arith.constant dense<0.000000e+00> : vector<2000x128xf32>
    %dot_general3A_5 = tpu.matmul %get3A_1, %get3A_4, %dot_general3A {dimension_numbers = #tpu.dot_dimension_numbers<[1], [1], [0], [0], [0, 0, 1, 0], [], []>, transpose_lhs_hint = false} : vector<2000x128xf32>, vector<128x128xf32>, vector<2000x128xf32> -> vector<2000x128xf32>
    %get3A_6 = arith.constant 0 : index
    %get3A_7 = arith.constant 0 : index
    %get3A_8 = vector.load %arg2[%get3A_6, %get3A_7] : memref<2000x128xf32, #tpu.memory_space<vmem>>, vector<2000x128xf32>
    %get3A_9 = arith.constant 0 : index
    %get3A_10 = arith.constant 0 : index
    %get3A_11 = vector.load %arg4[%get3A_9, %get3A_10] : memref<128x128xf32, #tpu.memory_space<vmem>>, vector<128x128xf32>
    %dot_general3A_12 = arith.constant dense<0.000000e+00> : vector<2000x128xf32>
    %dot_general3A_13 = tpu.matmul %get3A_8, %get3A_11, %dot_general3A_12 {dimension_numbers = #tpu.dot_dimension_numbers<[1], [1], [0], [0], [0, 0, 1, 0], [], []>, transpose_lhs_hint = false} : vector<2000x128xf32>, vector<128x128xf32>, vector<2000x128xf32> -> vector<2000x128xf32>
    %mul3A = arith.constant 3.125000e-02 : f32
    %mul3A_14 = vector.broadcast %mul3A : f32 to vector<2000x128xf32>
    %mul3A_15 = arith.mulf %dot_general3A_13, %mul3A_14 : vector<2000x128xf32>
    %add3A = arith.addf %dot_general3A_5, %mul3A_15 : vector<2000x128xf32>
    %get3A_16 = arith.constant 0 : index
    %get3A_17 = arith.constant 0 : index
    %get3A_18 = vector.load %arg5[%get3A_16, %get3A_17] : memref<1x128xf32, #tpu.memory_space<vmem>>, vector<1x128xf32>
    %add3A_19 = vector.broadcast %get3A_18 : vector<1x128xf32> to vector<2000x128xf32>
    %add3A_20 = arith.addf %add3A, %add3A_19 : vector<2000x128xf32>
    %swap3A = arith.constant 0 : index
    %swap3A_21 = arith.constant 0 : index
    %swap3A_22 = vector.load %arg6[%swap3A, %swap3A_21] : memref<2000x128xf32, #tpu.memory_space<vmem>>, vector<2000x128xf32>
    tpu.vector_store %arg6[%swap3A, %swap3A_21], %add3A_20 {strides = array<i32>} : memref<2000x128xf32, #tpu.memory_space<vmem>>, vector<2000x128xf32>,
    return
  }
  func.func @transform_0(%arg0: i32) -> (i32, i32) {
    %c0_i32 = arith.constant 0 : i32
    %c0_i32_0 = arith.constant 0 : i32
    return %arg0, %c0_i32 : i32, i32
  }
  func.func @transform_1(%arg0: i32) -> (i32, i32) {
    %c0_i32 = arith.constant 0 : i32
    %c0_i32_0 = arith.constant 0 : i32
    return %arg0, %c0_i32 : i32, i32
  }
  func.func @transform_2(%arg0: i32) -> (i32, i32) {
    %c0_i32 = arith.constant 0 : i32
    %c0_i32_0 = arith.constant 0 : i32
    %c0_i32_1 = arith.constant 0 : i32
    return %c0_i32, %c0_i32_0 : i32, i32
  }
  func.func @transform_3(%arg0: i32) -> (i32, i32) {
    %c0_i32 = arith.constant 0 : i32
    %c1_i32 = arith.constant 1 : i32
    %c0_i32_0 = arith.constant 0 : i32
    return %c0_i32, %c1_i32 : i32, i32
  }
  func.func @transform_4(%arg0: i32) -> (i32, i32) {
    %c0_i32 = arith.constant 0 : i32
    %c0_i32_0 = arith.constant 0 : i32
    %c0_i32_1 = arith.constant 0 : i32
    return %c0_i32, %c0_i32_0 : i32, i32
  }
  func.func @transform_5(%arg0: i32) -> (i32, i32) {
    %c0_i32 = arith.constant 0 : i32
    %c0_i32_0 = arith.constant 0 : i32
    return %arg0, %c0_i32 : i32, i32
  }
}

</mosaic_0001>

<sc_bundles>
// kernel: kernel.4.cloned.1.call-start
scs
__scs_entry_jumppad:
0x0: {  	(pc) =	sbr.rel $0x88, $3  }
0x1: {  	(tag) =	ssettag $0x0;
	lr =	simm.s32 $0x1  }
0x2: {  	[smem:$0x3F9D] =	sst lr;
	_ =	strace $0xD0000000  }
0x3: {  	_ = 	snop  }
0x4: {  	_ = 	snop  }
0x5: {  	_ = 	snop  }
0x6: {  	_ = 	snop  }
0x7: {  	_ = 	snop  }
__scs_overlays_trampoline_lowered:
0x8: {  	[smem:$0x3FAC] =	sst s0  }
0x9: {  	[smem:$0x3FAD] =	sst s1  }
0xa: {  	[smem:$0x3FAE] =	sst s2  }
0xb: {  	[smem:$0x3FAF] =	sst s3  }
0xc: {  	[smem:$0x3FB0] =	sst s4  }
0xd: {  	[smem:$0x3FB1] =	sst s5  }
0xe: {  	[smem:$0x3FB2] =	sst s6  }
0xf: {  	[smem:$0x3FB3] =	sst s7  }
0x10: {  	[smem:$0x3FB4] =	sst s8  }
0x11: {  	[smem:$0x3FB5] =	sst s9;
	s0 =	simm.s32 @!p0 $0x0  }
0x12: {  	s1 =	sld [smem:$0x3F9B];
	s0 =	simm.s32 @p0 $0x1  }
0x13: {  	[smem:$0x3FB6] =	sst s0;
	s0 =	simm.s32 @!p1 $0x0  }
0x14: {  	s2 =	sld [smem:$0x3F9A];
	s0 =	simm.s32 @p1 $0x1  }
0x15: {  	[smem:$0x3FB7] =	sst s0;
	s0 =	simm.s32 @!p2 $0x0  }
0x16: {  	s3 =	sld [smem:$0x3FDB];
	s0 =	simm.s32 @p2 $0x1  }
0x17: {  	s4 =	simm.s32 $0x1BF5;
	[smem:$0x3FB9] =	sst s0  }
0x18: {  	s0 =	sld [smem:$0x3F9C];
	_ =	swait.ge [sflag:s4], $0x0  }
0x19: {  	s7 =	sld [smem:$0x3F9D]  }
0x1a: {  	s8 =	sadd.s32 $0xFFFFE003, lr  }
0x1b: {  	s9 =	sadd.s32 $0xFFFFFEF7, lr;
	s5 =	simm.s32 $0xFFFFFFFF;
	p2 =	slt.u32 s8, $0xFFFFF086  }
0x1c: {  	p1 =	slt.u32 s9, $0xF7A;
	s5 =	simm.s32 @!p2 $0x0  }
0x1d: {  	s5 =	simm.s32 @p1 $0x1;
	p0 =	seq.s32 s7, s2  }
0x1e: {  	s7 =	smul.u32 @!p0 $0xF7A, s2;
	p2 =	seq.s32 @!p0 s5, $0x0  }
0x1f: {  	s9 =	smul.u32 $0xF7A, s1;
	s8 =	simm.s32 @!p0 $0x1BF5;
	p2 =	por !p2, p0  }
0x20: {  	[sflag:s8] =	ssyncset.s32 @!p0 $0xFFFFF086;
	s6 =	sadd.s32 @!p0 s3, s7;
	s7 =	simm.s32 @!p0 $0x108  }
0x21: {  	s3 =	sadd.s32 s3, s9;
	s6 =	sadd.s32 @!p0 $0x88, s6;
	s7 =	simm.s32 @p2 $0x1082  }
0x22: {  	[simem:s7], [sflag:s8] =	dma.local @!p0 [hbm:s6], $0xF7A  }
0x23: {  	s9 =	sor.u32 $0xD0000000, s2;
	s6 =	simm.s32 $0x108;
	_ =	swait.ge @!p0 [sflag:s8], $0x0  }
0x24: {  	s3 =	sadd.s32 $0x88, s3;
	s6 =	simm.s32 @!p1 $0x1082;
	[sflag:s4] =	ssyncset.s32 $0xFFFFF086  }
0x25: {  	[simem:s6], [sflag:s4] =	dma.local [hbm:s3], $0xF7A  }
0x26: {  	[smem:$0x3F9D] =	sst s1;
	(tag) =	ssettag s2;
	_ =	strace s9  }
0x27: {  	s1 =	sld [smem:$0x3FAD]  }
0x28: {  	s2 =	sld [smem:$0x3FAE]  }
0x29: {  	s4 =	sld [smem:$0x3FB0]  }
0x2a: {  	p0 =	seq.s32 s5, $0x0;
	s5 =	sld [smem:$0x3FB1]  }
0x2b: {  	s6 =	sld [smem:$0x3FB2]  }
0x2c: {  	s7 =	sld [smem:$0x3FB3]  }
0x2d: {  	s3 =	simm.s32 $0x108;
	s8 =	sld [smem:$0x3FB4]  }
0x2e: {  	s3 =	simm.s32 @!p0 $0x1082;
	s9 =	sld [smem:$0x3FB5]  }
0x2f: {  	lr =	sadd.s32 s0, s3;
	s0 =	sld [smem:$0x3FAC]  }
0x30: {  	s3 =	sld [smem:$0x3FAF]  }
0x31: {  	[smem:$0x3FB8] =	sst s10  }
0x32: {  	s10 =	sld [smem:$0x3FB6];
	_ =	sdelay $0x3  }
0x33: {  	p0 =	seq.s32 s10, $0x1;
	s10 =	sld [smem:$0x3FB8];
	_ =	sdelay $0x3  }
0x34: {  	[smem:$0x3FB8] =	sst s10  }
0x35: {  	s10 =	sld [smem:$0x3FB7];
	_ =	sdelay $0x3  }
0x36: {  	p1 =	seq.s32 s10, $0x1;
	s10 =	sld [smem:$0x3FB8];
	_ =	sdelay $0x3  }
0x37: {  	[smem:$0x3FB8] =	sst s10  }
0x38: {  	s10 =	sld [smem:$0x3FB9]  }
0x39: {  	_ = 	snop;
	(pc) =	sbr.ind lr, $3  }
0x3a: {  	_ = 	snop  }
0x3b: {  	_ = 	snop  }
0x3c: {  	p2 =	seq.s32 s10, $0x1;
	s10 =	sld [smem:$0x3FB8]  }
0x3d: {  	_ =	shalt  }
0x3e: {  	_ =	shalt  }
0x3f: {  	_ =	shalt  }
0x40: {  	_ =	shalt  }
0x41: {  	_ =	shalt  }
0x42: {  	_ =	shalt  }
0x43: {  	_ =	shalt  }
0x44: {  	_ =	shalt  }
0x45: {  	_ =	shalt  }
0x46: {  	_ =	shalt  }
0x47: {  	_ =	shalt  }
0x48: {  	_ =	shalt  }
0x49: {  	_ =	shalt  }
0x4a: {  	_ =	shalt  }
0x4b: {  	_ =	shalt  }
0x4c: {  	_ =	shalt  }
0x4d: {  	_ =	shalt  }
0x4e: {  	_ =	shalt  }
0x4f: {  	_ =	shalt  }
0x50: {  	_ =	shalt  }
0x51: {  	_ =	shalt  }
0x52: {  	_ =	shalt  }
0x53: {  	_ =	shalt  }
0x54: {  	_ =	shalt  }
0x55: {  	_ =	shalt  }
0x56: {  	_ =	shalt  }
0x57: {  	_ =	shalt  }
0x58: {  	_ =	shalt  }
0x59: {  	_ =	shalt  }
0x5a: {  	_ =	shalt  }
0x5b: {  	_ =	shalt  }
0x5c: {  	_ =	shalt  }
0x5d: {  	_ =	shalt  }
0x5e: {  	_ =	shalt  }
0x5f: {  	_ =	shalt  }
0x60: {  	_ =	shalt  }
0x61: {  	_ =	shalt  }
0x62: {  	_ =	shalt  }
0x63: {  	_ =	shalt  }
0x64: {  	_ =	shalt  }
0x65: {  	_ =	shalt  }
0x66: {  	_ =	shalt  }
0x67: {  	_ =	shalt  }
0x68: {  	_ =	shalt  }
0x69: {  	_ =	shalt  }
0x6a: {  	_ =	shalt  }
0x6b: {  	_ =	shalt  }
0x6c: {  	_ =	shalt  }
0x6d: {  	_ =	shalt  }
0x6e: {  	_ =	shalt  }
0x6f: {  	_ =	shalt  }
0x70: {  	_ =	shalt  }
0x71: {  	_ =	shalt  }
0x72: {  	_ =	shalt  }
0x73: {  	_ =	shalt  }
0x74: {  	_ =	shalt  }
0x75: {  	_ =	shalt  }
0x76: {  	_ =	shalt  }
0x77: {  	_ =	shalt  }
0x78: {  	_ =	shalt  }
0x79: {  	_ =	shalt  }
0x7a: {  	_ =	shalt  }
0x7b: {  	_ =	shalt  }
0x7c: {  	_ =	shalt  }
0x7d: {  	_ =	shalt  }
0x7e: {  	_ =	shalt  }
0x7f: {  	_ =	shalt  }
0x80: {  	_ =	shalt  }
0x81: {  	_ =	shalt  }
0x82: {  	_ =	shalt  }
0x83: {  	_ =	shalt  }
0x84: {  	_ =	shalt  }
0x85: {  	_ =	shalt  }
0x86: {  	_ =	shalt  }
0x87: {  	_ =	shalt  }
.Lfunc_end0:
.L_simem_size_0:
called_computation_lowered:
.L_overlay_start_0:
0x88: {  	s2 =	sld [smem:$0x3FD9]  }
0x89: {  	s3 =	sld [smem:$0x3FFE];
	_ =	sdelay $0x1  }
0x8a: {  	s1 =	srdreg.scid  }
0x8b: {  	s0 =	sand.u32 $0x1, s1  }
0x8c: {  	s17 =	sshll.u32 s0, $0xA;
	s2 =	sadd.s32 s3, s2  }
0x8d: {  	s2 =	sadd.s32 s2, s17  }
0x8e: {  	[smem:$0x3FC4] =	sst s2  }
0x8f: {  	_ = 	snop  }
0x90: {  	s2 =	sld [smem:$0x3FC9]  }
0x91: {  	s18 =	sld [smem:$0x3FD0];
	(tm) =	ssettm $0x1  }
0x92: {  	s4 =	sld [smem:$0x3FFB];
	_ =	sdelay $0x3  }
0x93: {  	_ =	strace s4  }
0x94: {  	s4 =	sld [smem:$0x3FFC];
	_ =	sdelay $0x3  }
0x95: {  	_ =	strace s4  }
0x96: {  	s4 =	sld [smem:$0x3FFD];
	_ =	sdelay $0x3  }
0x97: {  	_ =	strace s4  }
0x98: {  	_ =	strace $0x8FFFFFFF  }
0x99: {  	s19 =	sld [smem:$0x3FDB];
	_ =	sdelay $0x1  }
0x9a: {  	s5 =	simm.s32 $_scs_section_size  }
0x9b: {  	s6 =	simm.s32 $_size__tile_overlayer_lowered;
	s7 =	simm.s32 $_tile_overlayer_lowered  }
0x9c: {  	s22 =	simm.s32 $0x1BFF;
	s21 =	sshll.u32 s7, $0x1;
	s4 =	sadd.s32 s5, s19  }
0x9d: {  	s8 =	simm.s32 $0x0;
	s20 =	sshll.u32 s6, $0x1;
	s6 =	sadd.s32 s21, s4  }
0x9e: {  	[timem:s8], [sflag:s22] =	dma.local [hbm:s6], s20  }
0x9f: {  	_ =	swait.ge [sflag:s22], s20  }
0xa0: {  	s5 =	ssub.s32 $0x0, s20;
	[sflag:s22] =	ssyncset.done $0x0  }
0xa1: {  	[sflag:s22] =	ssyncadd.s32 s5;
	_ =	sdelay $0x1  }
0xa2: {  	s23 =	simm.s32 $0x1B8B  }
0xa3: {  	_ =	swait.ge [sflag:s23], $0x1  }
0xa4: {  	[sflag:s23] =	ssyncset.done $0x0  }
0xa5: {  	s25 =	simm.s32 $0x1B8E;
	s24 =	sld [smem:$0x3FFE];
	[sflag:s23] =	ssyncadd.s32 $0xFFFFFFFF  }
0xa6: {  	s26 =	simm.s32 $execute0_lowered;
	[smem:$0x3FD2] =	sst s25  }
0xa7: {  	s6 =	sshll.u32 s26, $0x1;
	_ =	strace $0x80000046;
	[dreg:$0x1] =	wrdreg $0xFFFFFFFF  }
0xa8: {  	s28 =	simm.s32 $_size_execute0_lowered;
	s4 =	sadd.s32 s4, s6;
	[dreg:$0x0] =	wrdreg $0x0  }
0xa9: {  	s6 =	sshll.u32 s28, $0x1;
	[dreg:$0x2] =	wrdreg s4  }
0xaa: {  	[dreg:$0x3] =	wrdreg s6  }
0xab: {  	[dreg:$0x4] =	wrdreg $0xC0  }
0xac: {  	_ =	task [dreg:s8], $0x5FFFF  }
0xad: {  	[dreg:$0x1] =	wrdreg $0xFFFFFFFF  }
0xae: {  	[dreg:$0x0] =	wrdreg $0x60  }
0xaf: {  	[dreg:$0x2] =	wrdreg s2  }
0xb0: {  	[dreg:$0x3] =	wrdreg s18  }
0xb1: {  	[dreg:$0x4] =	wrdreg s24  }
0xb2: {  	[dreg:$0x5] =	wrdreg $0x150000  }
0xb3: {  	[dreg:$0x6] =	wrdreg $0x9  }
0xb4: {  	_ =	task.clear_ibuf [dreg:s8], $0x7FFFF;
	_ =	strace $0x90000046  }
0xb5: {  	s29 =	simm.s32 $0x9;
	_ =	strace $0x80000048  }
0xb6: {  	_ =	swait.ge [sflag:s29], $0x1  }
0xb7: {  	[sflag:s29] =	ssyncadd.s32 $0xFFFFFFFF  }
0xb8: {  	_ =	strace $0x90000048  }
0xb9: {  	_ =	sfence  }
0xba: {  	s30 =	sld [smem:$0x0];
	_ =	sdelay $0x2  }
0xbb: {  	s31 =	sshll.u32 s1, $0xD;
	s1 =	sshrl.u32 s1, $0x2  }
0xbc: {  	s3 =	sand.u32 $0x4000, s31;
	s1 =	sadd.s32 s1, s30  }
0xbd: {  	s0 =	sor.u32 s3, s0;
	s1 =	sshll.u32 s1, $0x11  }
0xbe: {  	s0 =	sor.u32 s1, s0  }
0xbf: {  	s0 =	sadd.s32 $0x8F2B, s0  }
0xc0: {  	[sflag:s0] =	ssyncadd.remote.s32 $0x1  }
0xc1: {  	_ =	sfence.sel $0xFFFF  }
0xc2: {  	[dreg:$0x0] =	wrdreg $0xFFFFFFFF;
	(pc) =	sbr.abs _section_cstart, $3  }
0xc3: {  	[dreg:$0x1] =	wrdreg $0xFFFFFFFF  }
0xc4: {  	_ =	task.clear_ibuf [dreg:s8], $0x2FFFF;
	_ =	strace $0x9FFFFFFF  }
0xc5: {  	(tm) =	ssettm $0x7FFFFFFF  }
tec
execute0_lowered:
.L_overlay_start_1:
0x0: {  	(tag) =	ssettag $0x1  }
0x1: {  	s1 =	rddreg [dreg:$0x0]  }
0x2: {  	s0 =	rddreg [dreg:$0x1]  }
0x3: {  	s2 =	rddreg [dreg:$0x2]  }
0x4: {  	s3 =	rddreg [dreg:$0x3];
	s4 =	simm.s32 $0x0  }
0x5: {  	s11 =	stileid.u32;
	s5 =	srdreg.scid;
	s16 =	simm.s32 $0xA  }
0x6: {  	s28 =	simm.s32 $0x1;
	s29 =	simm.s32 $0x2;
	s30 =	simm.s32 $0x3  }
0x7: {  	s31 =	simm.s32 $0x4;
	s17 =	simm.s32 $0x7;
	[smem:$0x7FF] =	sst s4  }
0x8: {  	s18 =	smul.u32 $0x500, s11;
	s6 =	sand.u32 $0x1, s5;
	s19 =	sadd.s32 $0x6400, s2  }
0x9: {  	s9 =	smul.u32 $0x28000, s11;
	_ =	strace $0x80000047;
	[dreg:$0x5] =	wrdreg s19  }
0xa: {  	s7 =	sshll.u32 s6, $0x4;
	s8 =	ssub.s32 $0x2, s6;
	s6 =	sadd.s32 $0x6C00, s2  }
0xb: {  	s19 =	simm.s32 $0x5000;
	s4 =	sadd.s32 s18, s2;
	s7 =	sor.u32 s11, s7  }
0xc: {  	s20 =	sshrl.u32 s8, $0x1;
	s21 =	sshrl.u32 s9, $0x2;
	s10 =	smul.u32 $0x500, s7  }
0xd: {  	s18 =	simm.s32 $0x80;
	s2 =	ssub.s32 s8, s20;
	s22 =	smul.u32 $0xA000, s7  }
0xe: {  	s23 =	sadd.s32 $0x1400, s4;
	s4 =	sadd.s32 s21, s3;
	s15 =	smul.u32 $0x1400, s7  }
0xf: {  	s20 =	simm.s32 $0x9000;
	s21 =	simm.s32 $0x8;
	s7 =	simm.s32 $0x0  }
0x10: {  	[dreg:$0x7] =	wrdreg s23;
	s24 =	sadd.s32 $0x8000, s4;
	s26 =	smax.u32 s2, $0x1  }
0x11: {  	s2 =	simm.s32 $0x6;
	s23 =	simm.s32 $0x9;
	s0 =	sadd.s32 s0, s10  }
.Ltmp0:
0x12: {  	s10 =	sadd.s32 $0x4000, s4;
	[dreg:$0x8] =	wrdreg s24;
	(pc) =	sbr.rel .LBB2_1-.Ltmp0, $4  }
0x13: {  	s25 =	sshrl.u32 s22, $0x3;
	[dreg:$0xa] =	wrdreg s26;
	s22 =	simm.s32 $0xD000  }
0x14: {  	s24 =	simm.s32 $0x11000;
	[dreg:$0x6] =	wrdreg s0;
	s0 =	sadd.s32 s6, s25  }
0x15: {  	s12 =	sadd.s32 $0x800, s25;
	s25 =	sshll.u32 s11, $0x6;
	s0 =	sadd.s32 $0x1000, s0  }
0x16: {  	s26 =	sor.u32 $0x1C0A, s25;
	[dreg:$0x9] =	wrdreg s0;
	s0 =	simm.s32 $0x5  }
.LBB2_7:
0x17: {  	_ =	swait.ge [sflag:s28], $0x4000  }
0x18: {  	[sflag:s28] =	ssyncset.done $0x0  }
0x19: {  	s5 =	simm.s32 $0x4E00;
	[sflag:s28] =	ssyncadd.s32 $0xFFFFC000  }
0x1a: {  	[spmem:s3] =	stream.indirect.scatter.add.f32 [tilespmem:s19], [sflag:$0x5], $0x80, s5, s18, $0xb8;
	[tilespmem:$0x1F000] =	vst v63  }
0x1b: {  	_ =	swait.ge [sflag:s29], $0x4000  }
0x1c: {  	[sflag:s29] =	ssyncset.done $0x0  }
0x1d: {  	s14 =	simm.s32 $0x4E80;
	[sflag:s29] =	ssyncadd.s32 $0xFFFFC000  }
0x1e: {  	[spmem:s3] =	stream.indirect.scatter.add.f32 [tilespmem:s20], [sflag:$0x6], $0x80, s14, s18, $0xb8;
	[tilespmem:$0x1F000] =	vst v63  }
0x1f: {  	_ =	swait.ge [sflag:s30], $0x4000  }
0x20: {  	[sflag:s30] =	ssyncset.done $0x0  }
0x21: {  	s9 =	simm.s32 $0x4F00;
	[sflag:s30] =	ssyncadd.s32 $0xFFFFC000  }
0x22: {  	[spmem:s3] =	stream.indirect.scatter.add.f32 [tilespmem:s22], [sflag:$0x7], $0x80, s9, s18, $0xb8;
	[tilespmem:$0x1F000] =	vst v63  }
0x23: {  	_ =	swait.ge [sflag:s31], $0x4000  }
0x24: {  	[sflag:s31] =	ssyncset.done $0x0  }
0x25: {  	s11 =	simm.s32 $0x4F80;
	[sflag:s31] =	ssyncadd.s32 $0xFFFFC000  }
0x26: {  	[spmem:s3] =	stream.indirect.scatter.add.f32 [tilespmem:s24], [sflag:$0x8], $0x80, s11, s18, $0xb8;
	[tilespmem:$0x1F000] =	vst v63  }
0x27: {  	_ =	swait.ge [sflag:s0], $0x4000  }
0x28: {  	[sflag:s0] =	ssyncset.done $0x0  }
0x29: {  	[sflag:s0] =	ssyncadd.s32 $0xFFFFC000  }
0x2a: {  	_ =	swait.ge [sflag:s2], $0x4000  }
0x2b: {  	[sflag:s2] =	ssyncset.done $0x0  }
0x2c: {  	[sflag:s2] =	ssyncadd.s32 $0xFFFFC000  }
0x2d: {  	_ =	swait.ge [sflag:s17], $0x4000  }
0x2e: {  	[sflag:s17] =	ssyncset.done $0x0  }
0x2f: {  	[sflag:s17] =	ssyncadd.s32 $0xFFFFC000  }
0x30: {  	_ =	swait.ge [sflag:s21], $0x4000  }
0x31: {  	[sflag:s21] =	ssyncset.done $0x0  }
0x32: {  	s13 =	rddreg [dreg:$0x9];
	[sflag:s21] =	ssyncadd.s32 $0xFFFFC000  }
0x33: {  	[hbm:s13], [sflag:s26] =	dma.local [spmem:s8], $0x400  }
0x34: {  	_ =	swait.ge [sflag:s16], $0x400  }
0x35: {  	[sflag:s16] =	ssyncset.done $0x0  }
0x36: {  	[sflag:s16] =	ssyncadd.s32 $0xFFFFFC00  }
0x37: {  	_ =	swait.ge [sflag:s23], $0x800  }
0x38: {  	[sflag:s23] =	ssyncset.done $0x0  }
0x39: {  	[sflag:s23] =	ssyncadd.s32 $0xFFFFF800  }
0x3a: {  	_ =	swait.ge [sflag:s23], $0x800  }
0x3b: {  	s7 =	sadd.s32 $0x1, s7;
	s14 =	rddreg [dreg:$0xa]  }
0x3c: {  	p0 =	sne.s32 s7, s14  }
.Ltmp1:
0x3d: {  	_ = 	snop;
	(pc) =	sbr.rel @!p0 .LBB2_8-.Ltmp1, $3  }
0x3e: {  	_ =	sdelay $0x1  }
0x3f: {  	[sflag:s23] =	ssyncset.done $0x0  }
0x40: {  	[sflag:s23] =	ssyncadd.s32 $0xFFFFF800  }
.LBB2_1:
0x41: {  	s5 =	simm.s32 $0x0;
	s8 =	rddreg [dreg:$0x6]  }
0x42: {  	[tilespmem:s5], [sflag:$0xA] =	stream.linear.gather [hbm4b:s8+s5], $0x2800, $0x38;
	[tilespmem:$0x1F000] =	vst v63  }
0x43: {  	_ =	swait.ge [sflag:s16], $0x2800  }
0x44: {  	[sflag:s16] =	ssyncset.done $0x0  }
0x45: {  	s9 =	simm.s32 $0x2800;
	s13 =	rddreg [dreg:$0x7];
	[sflag:s16] =	ssyncadd.s32 $0xFFFFD800  }
0x46: {  	[tilespmem:s9], [sflag:$0xA] =	stream.linear.gather [hbm4b:s13+s5], $0x2800, $0x38;
	[tilespmem:$0x1F000] =	vst v63  }
0x47: {  	_ =	swait.ge [sflag:s16], $0x2800  }
0x48: {  	[sflag:s16] =	ssyncset.done $0x0  }
0x49: {  	[sflag:s16] =	ssyncadd.s32 $0xFFFFD800  }
0x4a: {  	[tilespmem:s19], [sflag:$0x1] =	stream.indirect.gather [hbm4b:s1+s18], $0x80, s5, s18, $0xb8;
	[tilespmem:$0x1F000] =	vst v63  }
0x4b: {  	_ = 	snop  }
0x4c: {  	[tilespmem:s20], [sflag:$0x2] =	stream.indirect.gather [hbm4b:s1+s18], $0x80, s18, s18, $0xb8;
	[tilespmem:$0x1F000] =	vst v63  }
0x4d: {  	s14 =	simm.s32 $0x100  }
0x4e: {  	[tilespmem:s22], [sflag:$0x3] =	stream.indirect.gather [hbm4b:s1+s18], $0x80, s14, s18, $0xb8;
	[tilespmem:$0x1F000] =	vst v63  }
0x4f: {  	s8 =	simm.s32 $0x180;
	s9 =	sshrl.u32 s4, $0x3;
	s11 =	rddreg [dreg:$0x5]  }
0x50: {  	[tilespmem:s24], [sflag:$0x4] =	stream.indirect.gather [hbm4b:s1+s18], $0x80, s8, s18, $0xb8;
	[tilespmem:$0x1F000] =	vst v63  }
0x51: {  	[spmem:s9], [sflag:s26] =	dma.local [hbm:s11], $0x800  }
0x52: {  	_ =	swait.ge [sflag:s16], $0x800  }
0x53: {  	[sflag:s16] =	ssyncset.done $0x0  }
0x54: {  	s13 =	sshrl.u32 s10, $0x3;
	[sflag:s16] =	ssyncadd.s32 $0xFFFFF800  }
0x55: {  	[spmem:s13], [sflag:s26] =	dma.local [hbm:s11], $0x800  }
0x56: {  	_ =	swait.ge [sflag:s16], $0x800  }
0x57: {  	[sflag:s16] =	ssyncset.done $0x0;
	s14 =	rddreg [dreg:$0x8]  }
.Ltmp2:
0x58: {  	[sflag:s16] =	ssyncadd.s32 $0xFFFFF800;
	s8 =	sshrl.u32 s14, $0x3;
	(pc) =	sbr.rel .LBB2_2-.Ltmp2, $4  }
0x59: {  	[spmem:s8], [sflag:s26] =	dma.local [hbm:s11], $0x400  }
0x5a: {  	_ =	swait.ge [sflag:s16], $0x400  }
0x5b: {  	[sflag:s16] =	ssyncset.done $0x0  }
0x5c: {  	s14 =	simm.s32 $0x0;
	s11 =	simm.s32 $0x0;
	[sflag:s16] =	ssyncadd.s32 $0xFFFFFC00  }
.LBB2_5:
0x5d: {  	s13 =	sadd.s32 s6, s13;
	s5 =	sor.u32 $0x1C09, s25;
	s9 =	sshrl.u32 s9, $0x3  }
0x5e: {  	[hbm:s13], [sflag:s5] =	dma.local [spmem:s9], $0x800  }
.LBB2_6:
0x5f: {  	s11 =	sadd.s32 $0x800, s11  }
0x60: {  	p0 =	sne.s32 s11, $0x9800  }
.Ltmp3:
0x61: {  	_ = 	snop;
	(pc) =	sbr.rel @!p0 .LBB2_7-.Ltmp3, $2  }
0x62: {  	_ =	sdelay $0x2  }
0x63: {  	s14 =	sadd.s32 $0x1, s14  }
.LBB2_2:
0x64: {  	_ =	swait.ge [sflag:s28], $0x4000  }
0x65: {  	s9 =	sshra.s32 s11, $0x2;
	[sflag:s28] =	ssyncset.done $0x0  }
0x66: {  	s13 =	sadd.s32 $0x2800, s9;
	[sflag:s28] =	ssyncadd.s32 $0xFFFFC000  }
0x67: {  	[spmem:s3] =	stream.indirect.scatter.add.f32 [tilespmem:s19], [sflag:$0x5], $0x80, s13, s18, $0xb8;
	[tilespmem:$0x1F000] =	vst v63  }
0x68: {  	_ =	swait.ge [sflag:s29], $0x4000  }
0x69: {  	[sflag:s29] =	ssyncset.done $0x0  }
0x6a: {  	s5 =	sadd.s32 $0x2880, s9;
	[sflag:s29] =	ssyncadd.s32 $0xFFFFC000  }
0x6b: {  	[spmem:s3] =	stream.indirect.scatter.add.f32 [tilespmem:s20], [sflag:$0x6], $0x80, s5, s18, $0xb8;
	[tilespmem:$0x1F000] =	vst v63  }
0x6c: {  	_ =	swait.ge [sflag:s30], $0x4000  }
0x6d: {  	[sflag:s30] =	ssyncset.done $0x0  }
0x6e: {  	s5 =	sadd.s32 $0x2900, s9;
	[sflag:s30] =	ssyncadd.s32 $0xFFFFC000  }
0x6f: {  	[spmem:s3] =	stream.indirect.scatter.add.f32 [tilespmem:s22], [sflag:$0x7], $0x80, s5, s18, $0xb8;
	[tilespmem:$0x1F000] =	vst v63  }
0x70: {  	_ =	swait.ge [sflag:s31], $0x4000  }
0x71: {  	[sflag:s31] =	ssyncset.done $0x0  }
0x72: {  	s5 =	sadd.s32 $0x2980, s9;
	[sflag:s31] =	ssyncadd.s32 $0xFFFFC000  }
0x73: {  	[spmem:s3] =	stream.indirect.scatter.add.f32 [tilespmem:s24], [sflag:$0x8], $0x80, s5, s18, $0xb8;
	[tilespmem:$0x1F000] =	vst v63  }
0x74: {  	_ =	swait.ge [sflag:s0], $0x4000  }
0x75: {  	[sflag:s0] =	ssyncset.done $0x0  }
0x76: {  	s5 =	sadd.s32 $0x200, s9;
	[sflag:s0] =	ssyncadd.s32 $0xFFFFC000  }
0x77: {  	[tilespmem:s19], [sflag:$0x1] =	stream.indirect.gather [hbm4b:s1+s18], $0x80, s5, s18, $0xb8;
	[tilespmem:$0x1F000] =	vst v63  }
0x78: {  	_ =	swait.ge [sflag:s2], $0x4000  }
0x79: {  	[sflag:s2] =	ssyncset.done $0x0  }
0x7a: {  	s5 =	sadd.s32 $0x280, s9;
	[sflag:s2] =	ssyncadd.s32 $0xFFFFC000  }
0x7b: {  	[tilespmem:s20], [sflag:$0x2] =	stream.indirect.gather [hbm4b:s1+s18], $0x80, s5, s18, $0xb8;
	[tilespmem:$0x1F000] =	vst v63  }
0x7c: {  	_ =	swait.ge [sflag:s17], $0x4000  }
0x7d: {  	[sflag:s17] =	ssyncset.done $0x0  }
0x7e: {  	p0 =	seq.s32 s14, $0x8;
	s5 =	sadd.s32 $0x300, s9;
	[sflag:s17] =	ssyncadd.s32 $0xFFFFC000  }
0x7f: {  	[tilespmem:s22], [sflag:$0x3] =	stream.indirect.gather [hbm4b:s1+s18], $0x80, s5, s18, $0xb8;
	[tilespmem:$0x1F000] =	vst v63  }
.Ltmp4:
0x80: {  	_ =	swait.ge [sflag:s21], $0x4000;
	(pc) =	sbr.rel @p0 .LBB2_5-.Ltmp4, $4  }
0x81: {  	[sflag:s21] =	ssyncset.done $0x0  }
0x82: {  	s9 =	sadd.s32 $0x380, s9;
	[sflag:s21] =	ssyncadd.s32 $0xFFFFC000  }
0x83: {  	[tilespmem:s24], [sflag:$0x4] =	stream.indirect.gather [hbm4b:s1+s18], $0x80, s9, s18, $0xb8;
	[tilespmem:$0x1F000] =	vst v63  }
0x84: {  	s13 =	smov.u32 s15;
	s9 =	smov.u32 s4  }
0x85: {  	p0 =	sne.s32 s14, $0x10  }
.Ltmp5:
0x86: {  	_ = 	snop;
	(pc) =	sbr.rel @p0 .LBB2_6-.Ltmp5, $1  }
0x87: {  	_ =	sdelay $0x3  }
.Ltmp6:
0x88: {  	(pc) =	sbr.rel .LBB2_5-.Ltmp6, $2  }
0x89: {  	_ =	sdelay $0x2  }
0x8a: {  	s13 =	smov.u32 s12;
	s9 =	smov.u32 s10  }
.LBB2_8:
0x8b: {  	_ =	sfence.sel $0x180000  }
0x8c: {  	[bflag:$0x0] =	sbarrier.arrive $0xFFFF  }
0x8d: {  	_ =	strace $0x90000047  }
0x8e: {  	s0 =	stileid.u32;
	[bflag:$0x2] =	sbarrier.arrive $0xFFFF  }
0x8f: {  	p0 =	sne.s32 s0, $0x0;
	s0 =	rddreg [dreg:$0x4]  }
0x90: {  	s0 =	sadd.s32 @!p0 $0x100000, s0  }
0x91: {  	[sflag:s0] =	ssyncadd.tile.s32 @!p0 $0x1;
	_ =	shalt  }
.Lfunc_end2:
_tile_overlayer_lowered:
.L_overlay_start_2:
0x92: {  	(tag) =	ssettag $0x2  }
0x93: {  	s0 =	rddreg [dreg:$0x0];
	s2 =	stileid.u32  }
0x94: {  	s1 =	rddreg [dreg:$0x1];
	p0 =	sne.s32 s2, $0x0  }
0x95: {  	s3 =	rddreg [dreg:$0x2];
	[bflag:$0x3] =	sbarrier.arrive $0xFFFF;
	s2 =	simm.s32 @!p0 $0x1C0A  }
0x96: {  	[timem:s3], [sflag:s2] =	dma.local @!p0 [hbm:s0], s1  }
0x97: {  	s0 =	simm.s32 @!p0 $0xA  }
0x98: {  	_ =	swait.ge @!p0 [sflag:s0], s1  }
0x99: {  	s1 =	ssub.s32 @!p0 $0x0, s1;
	[sflag:s0] =	ssyncset.done @!p0 $0x0  }
0x9a: {  	[sflag:s0] =	ssyncadd.s32 @!p0 s1  }
0x9b: {  	[bflag:$0x3] =	sbarrier.arrive $0xFFFF  }
0x9c: {  	_ =	shalt  }

</sc_bundles>
